<compile_context>
chip_gen: v7x
topology: tpu7x:2x2x1
jax: 0.10.2.dev20260603
libtpu: 0.0.44.dev20260713+nightly
codegen_flags: <defaults>
</compile_context>

<pallas_src>
import functools

import jax
import jax.numpy as jnp
from jax import lax
from jax.experimental import pallas as pl
from jax.experimental.pallas import tpu as pltpu
from jax.experimental.pallas import tpu_sc as plsc

EPS = 1e-12
NUM_SC_CORES = 2
NUM_SC_SUBCORES = 16
NW = NUM_SC_CORES * NUM_SC_SUBCORES
GATHER_CHUNK = 32
NBUF = 4
TOK_BLOCK = 2048
N_SPLIT = 2


def _sc_gather(word_emb, flat_ids):
    n_tok = flat_ids.shape[0]
    hidden = word_emb.shape[1]
    per_w = n_tok // NW
    n_chunks = per_w // GATHER_CHUNK
    mesh = plsc.VectorSubcoreMesh(core_axis_name="c", subcore_axis_name="s")

    @functools.partial(
        pl.kernel,
        out_type=jax.ShapeDtypeStruct((n_tok, hidden), jnp.float32),
        mesh=mesh,
        scratch_types=[
            pltpu.VMEM((per_w,), jnp.int32),
            pltpu.VMEM((NBUF, GATHER_CHUNK, hidden), jnp.float32),
        ]
        + [pltpu.SemaphoreType.DMA] * (2 * NBUF),
    )
    def gather_kernel(table_hbm, idx_hbm, out_hbm, idx_v, rows_v, *sems):
        gsems = sems[:NBUF]
        wsems = sems[NBUF:]
        wid = lax.axis_index("s") * NUM_SC_CORES + lax.axis_index("c")
        base = wid * per_w
        pltpu.sync_copy(idx_hbm.at[pl.ds(base, per_w)], idx_v)
        gathers = [None] * n_chunks
        writes = [None] * n_chunks
        for c in range(n_chunks):
            if c >= NBUF:
                writes[c - NBUF].wait()
            gathers[c] = pltpu.async_copy(
                table_hbm.at[idx_v.at[pl.ds(c * GATHER_CHUNK, GATHER_CHUNK)]],
                rows_v.at[c % NBUF],
                gsems[c % NBUF],
            )
            if c >= 1:
                gathers[c - 1].wait()
                writes[c - 1] = pltpu.async_copy(
                    rows_v.at[(c - 1) % NBUF],
                    out_hbm.at[pl.ds(base + (c - 1) * GATHER_CHUNK, GATHER_CHUNK)],
                    wsems[(c - 1) % NBUF],
                )
        c = n_chunks - 1
        gathers[c].wait()
        writes[c] = pltpu.async_copy(
            rows_v.at[c % NBUF],
            out_hbm.at[pl.ds(base + c * GATHER_CHUNK, GATHER_CHUNK)],
            wsems[c % NBUF],
        )
        for c in range(max(0, n_chunks - NBUF), n_chunks):
            writes[c].wait()

    return gather_kernel(word_emb, flat_ids)


def _tc_add_ln(gathered, pos_block, type_emb, tt_col, ln_w2, ln_b2, s_base, seq):
    n_tok, hidden = gathered.shape
    blocks_per_seq = seq // TOK_BLOCK
    n_batch = n_tok // seq
    base_block = s_base // TOK_BLOCK

    def tok_block(i, j):
        return (j * blocks_per_seq + i, 0)

    def body(g_ref, pos_ref, type_ref, tt_ref, w_ref, b_ref, o_ref):
        t0 = type_ref[0:1, :]
        dt = type_ref[1:2, :] - t0
        e = (
            g_ref[...]
            + pos_ref[...]
            + t0
            + tt_ref[...].astype(jnp.float32) * dt
        )
        mean = jnp.mean(e, axis=1, keepdims=True)
        ec = e - mean
        var = jnp.mean(ec * ec, axis=1, keepdims=True)
        o_ref[...] = ec * lax.rsqrt(var + EPS) * w_ref[...] + b_ref[...]

    return pl.pallas_call(
        body,
        grid=(blocks_per_seq, n_batch),
        in_specs=[
            pl.BlockSpec((TOK_BLOCK, hidden), tok_block),
            pl.BlockSpec(
                (TOK_BLOCK, hidden),
                lambda i, j: (
                    lax.rem(i + base_block, blocks_per_seq),
                    0,
                ),
            ),
            pl.BlockSpec((2, hidden), lambda i, j: (0, 0)),
            pl.BlockSpec((TOK_BLOCK, 1), tok_block),
            pl.BlockSpec((1, hidden), lambda i, j: (0, 0)),
            pl.BlockSpec((1, hidden), lambda i, j: (0, 0)),
        ],
        out_specs=pl.BlockSpec((TOK_BLOCK, hidden), tok_block),
        out_shape=jax.ShapeDtypeStruct((n_tok, hidden), jnp.float32),
    )(gathered, pos_block, type_emb, tt_col, ln_w2, ln_b2)


def kernel(input_ids, token_type_ids, word_emb, pos_emb, type_emb, ln_w, ln_b):
    b, s = input_ids.shape
    hidden = word_emb.shape[1]
    n_tok = b * s
    flat_ids = input_ids.reshape(-1)
    tt_col = token_type_ids.reshape(-1, 1)
    pos_block = pos_emb[:s]
    ln_w2 = ln_w.reshape(1, hidden)
    ln_b2 = ln_b.reshape(1, hidden)

    piece = n_tok // N_SPLIT
    outs = []
    for p in range(N_SPLIT):
        lo = p * piece
        gathered = _sc_gather(word_emb, flat_ids[lo : lo + piece])
        outs.append(
            _tc_add_ln(
                gathered,
                pos_block,
                type_emb,
                tt_col[lo : lo + piece],
                ln_w2,
                ln_b2,
                lo % s,
                s,
            )
        )
    out = jnp.concatenate(outs, axis=0) if N_SPLIT > 1 else outs[0]
    return out.reshape(b, s, hidden)

# --- scband reference (transcript-rebuilt; emitter-appended) ---
"""Pipeline reference for scband-bert-embeddings-28802050687773 (READ-ONLY COPY).

The authoritative reference and input builder live on the scoring server;
editing this copy changes nothing except your own understanding.
"""

import jax, jax.numpy as jnp
import numpy as np

VOCAB = 100000
HIDDEN = 768
MAX_POS = 2048
TYPE_VOCAB = 2
EPS = 1e-12
B, S = 4, 2048


def setup_inputs(seed: int = 0) -> dict:
    key = jax.random.key(seed)
    k1, k2, k3, k4, k5 = jax.random.split(key, 5)
    input_ids = jax.random.randint(k1, (B, S), 0, VOCAB, dtype=jnp.int64 if jax.config.jax_enable_x64 else jnp.int32).astype(jnp.int32)
    token_type_ids = jax.random.randint(k2, (B, S), 0, TYPE_VOCAB).astype(jnp.int32)
    word_emb = jax.random.normal(k3, (VOCAB, HIDDEN), dtype=jnp.float32) * 0.02
    pos_emb = jax.random.normal(k4, (MAX_POS, HIDDEN), dtype=jnp.float32) * 0.02
    type_emb = jax.random.normal(k5, (TYPE_VOCAB, HIDDEN), dtype=jnp.float32) * 0.02
    ln_w = jnp.ones((HIDDEN,), dtype=jnp.float32)
    ln_b = jnp.zeros((HIDDEN,), dtype=jnp.float32)
    return {
        "input_ids": input_ids,
        "token_type_ids": token_type_ids,
        "word_emb": word_emb,
        "pos_emb": pos_emb,
        "type_emb": type_emb,
        "ln_w": ln_w,
        "ln_b": ln_b,
    }


def reference(input_ids, token_type_ids, word_emb, pos_emb, type_emb, ln_w, ln_b):
    seq_length = input_ids.shape[1]
    past_key_values_length = 0
    position_ids = jnp.arange(MAX_POS)[None, :][:, past_key_values_length: seq_length + past_key_values_length]
    inputs_embeds = jnp.take(word_emb, input_ids, axis=0)
    token_type_embeddings = jnp.take(type_emb, token_type_ids, axis=0)
    embeddings = inputs_embeds + token_type_embeddings
    position_embeddings = jnp.take(pos_emb, position_ids, axis=0)
    embeddings = embeddings + position_embeddings
    mean = jnp.mean(embeddings, axis=-1, keepdims=True)
    var = jnp.mean(jnp.square(embeddings - mean), axis=-1, keepdims=True)
    embeddings = (embeddings - mean) / jnp.sqrt(var + EPS) * ln_w + ln_b
    # dropout is identity in eval mode
    return embeddings

if __name__ == "__main__":
    import jax
    _d = setup_inputs()
    print(jax.jit(kernel)(*tuple(_d.values())))

</pallas_src>

<mosaic_0001>
#map = affine_map<(d0, d1) -> (0, 0)>
#map1 = affine_map<(d0, d1) -> (0)>
module attributes {stable_mosaic.version = 14 : i64} {
  func.func @gather_kernel(%arg0: i32, %arg1: i32, %arg2: memref<100000x768xf32, #tpu.memory_space<hbm>>, %arg3: memref<4096xi32, #tpu.memory_space<hbm>>, %arg4: memref<4096x768xf32, #tpu.memory_space<hbm>>, %arg5: memref<128xi32, #tpu.memory_space<vmem>>, %arg6: memref<4x32x768xf32, #tpu.memory_space<vmem>>, %arg7: memref<!tpu.dma_semaphore, #tpu.memory_space<semaphore_mem>>, %arg8: memref<!tpu.dma_semaphore, #tpu.memory_space<semaphore_mem>>, %arg9: memref<!tpu.dma_semaphore, #tpu.memory_space<semaphore_mem>>, %arg10: memref<!tpu.dma_semaphore, #tpu.memory_space<semaphore_mem>>, %arg11: memref<!tpu.dma_semaphore, #tpu.memory_space<semaphore_mem>>, %arg12: memref<!tpu.dma_semaphore, #tpu.memory_space<semaphore_mem>>, %arg13: memref<!tpu.dma_semaphore, #tpu.memory_space<semaphore_mem>>, %arg14: memref<!tpu.dma_semaphore, #tpu.memory_space<semaphore_mem>>) attributes {dimension_semantics = [#tpu.dimension_semantics<core_parallel>, #tpu.dimension_semantics<subcore_parallel>], iteration_bounds = array<i64: 2, 16>, scalar_prefetch = 0 : i64, scratch_operands = 10 : i64, tpu.core_type = #tpu.core_type<sc_vector_subcore>, window_params = [{transform_indices = #map}, {transform_indices = #map1}, {transform_indices = #map}]} {
    %mul3A = arith.constant 2 : i32
    %mul3A_0 = arith.muli %arg1, %mul3A : i32
    %add3A = arith.addi %mul3A_0, %arg0 : i32
    %mul3A_1 = arith.constant 128 : i32
    %mul3A_2 = arith.muli %add3A, %mul3A_1 : i32
    "tpu.region"() ({
      %run_scoped3A = tpu.sem_alloc : memref<!tpu.dma_semaphore, #tpu.memory_space<semaphore_mem>>
      %dma_start3A_193 = tpu.memref_slice %arg3[%mul3A_2] : memref<4096xi32, #tpu.memory_space<hbm>> -> memref<128xi32, #tpu.memory_space<hbm>>
      %dma_start3A_194 = tpu.memref_slice %arg3[%mul3A_2] : memref<4096xi32, #tpu.memory_space<hbm>> -> memref<128xi32, #tpu.memory_space<hbm>>
      tpu.enqueue_dma source(%dma_start3A_194 : memref<128xi32, #tpu.memory_space<hbm>>) target(%arg5 : memref<128xi32, #tpu.memory_space<vmem>>) target_semaphore(%run_scoped3A : memref<!tpu.dma_semaphore, #tpu.memory_space<semaphore_mem>>)
      %dma_wait3A_195 = tpu.memref_slice %arg3[%mul3A_2] : memref<4096xi32, #tpu.memory_space<hbm>> -> memref<128xi32, #tpu.memory_space<hbm>>
      %dma_wait3A_196 = tpu.memref_slice %arg3[%mul3A_2] : memref<4096xi32, #tpu.memory_space<hbm>> -> memref<128xi32, #tpu.memory_space<hbm>>
      tpu.wait_dma2 semaphore(%run_scoped3A : memref<!tpu.dma_semaphore, #tpu.memory_space<semaphore_mem>>) src(%dma_wait3A_196 : memref<128xi32, #tpu.memory_space<hbm>>) dst(%arg5 : memref<128xi32, #tpu.memory_space<vmem>>)
      tpu.yield
    }) : () -> ()
    %dma_start3A = arith.constant 0 : i32
    %dma_start3A_3 = arith.constant 0 : i32
    %dma_start3A_4 = arith.constant 0 : i32
    %dma_start3A_5 = tpu.memref_slice %arg6[%dma_start3A, %dma_start3A_3, %dma_start3A_4] : memref<4x32x768xf32, #tpu.memory_space<vmem>> -> memref<1x32x768xf32, #tpu.memory_space<vmem>>
    %dma_start3A_6 = tpu.memref_squeeze %dma_start3A_5 : memref<1x32x768xf32, #tpu.memory_space<vmem>> -> memref<32x768xf32, #tpu.memory_space<vmem>>
    %dma_start3A_7 = arith.constant 0 : i32
    %dma_start3A_8 = tpu.memref_slice %arg5[%dma_start3A_7] : memref<128xi32, #tpu.memory_space<vmem>> -> memref<32xi32, #tpu.memory_space<vmem>>
    %dma_start3A_9 = arith.constant 0 : i32
    %dma_start3A_10 = arith.constant 0 : i32
    %dma_start3A_11 = tpu.memref_slice %arg2[%dma_start3A_9, %dma_start3A_10] : memref<100000x768xf32, #tpu.memory_space<hbm>> -> memref<100000x768xf32, #tpu.memory_space<hbm>>
    tpu.enqueue_indirect_dma source(%dma_start3A_11 : memref<100000x768xf32, #tpu.memory_space<hbm>>) target(%dma_start3A_6 : memref<32x768xf32, #tpu.memory_space<vmem>>) offsets(%dma_start3A_8 : memref<32xi32, #tpu.memory_space<vmem>>) semaphore(%arg7 : memref<!tpu.dma_semaphore, #tpu.memory_space<semaphore_mem>>)
    %dma_start3A_12 = arith.constant 1 : i32
    %dma_start3A_13 = arith.constant 0 : i32
    %dma_start3A_14 = arith.constant 0 : i32
    %dma_start3A_15 = tpu.memref_slice %arg6[%dma_start3A_12, %dma_start3A_13, %dma_start3A_14] : memref<4x32x768xf32, #tpu.memory_space<vmem>> -> memref<1x32x768xf32, #tpu.memory_space<vmem>>
    %dma_start3A_16 = tpu.memref_squeeze %dma_start3A_15 : memref<1x32x768xf32, #tpu.memory_space<vmem>> -> memref<32x768xf32, #tpu.memory_space<vmem>>
    %dma_start3A_17 = arith.constant 32 : i32
    %dma_start3A_18 = tpu.memref_slice %arg5[%dma_start3A_17] : memref<128xi32, #tpu.memory_space<vmem>> -> memref<32xi32, #tpu.memory_space<vmem>>
    %dma_start3A_19 = arith.constant 0 : i32
    %dma_start3A_20 = arith.constant 0 : i32
    %dma_start3A_21 = tpu.memref_slice %arg2[%dma_start3A_19, %dma_start3A_20] : memref<100000x768xf32, #tpu.memory_space<hbm>> -> memref<100000x768xf32, #tpu.memory_space<hbm>>
    tpu.enqueue_indirect_dma source(%dma_start3A_21 : memref<100000x768xf32, #tpu.memory_space<hbm>>) target(%dma_start3A_16 : memref<32x768xf32, #tpu.memory_space<vmem>>) offsets(%dma_start3A_18 : memref<32xi32, #tpu.memory_space<vmem>>) semaphore(%arg8 : memref<!tpu.dma_semaphore, #tpu.memory_space<semaphore_mem>>)
    %dma_wait3A = arith.constant 0 : i32
    %dma_wait3A_22 = arith.constant 0 : i32
    %dma_wait3A_23 = arith.constant 0 : i32
    %dma_wait3A_24 = tpu.memref_slice %arg6[%dma_wait3A, %dma_wait3A_22, %dma_wait3A_23] : memref<4x32x768xf32, #tpu.memory_space<vmem>> -> memref<1x32x768xf32, #tpu.memory_space<vmem>>
    %dma_wait3A_25 = tpu.memref_squeeze %dma_wait3A_24 : memref<1x32x768xf32, #tpu.memory_space<vmem>> -> memref<32x768xf32, #tpu.memory_space<vmem>>
    %dma_wait3A_26 = arith.constant 0 : i32
    %dma_wait3A_27 = tpu.memref_slice %arg5[%dma_wait3A_26] : memref<128xi32, #tpu.memory_space<vmem>> -> memref<32xi32, #tpu.memory_space<vmem>>
    %dma_wait3A_28 = arith.constant 0 : i32
    %dma_wait3A_29 = arith.constant 0 : i32
    %dma_wait3A_30 = tpu.memref_slice %arg2[%dma_wait3A_28, %dma_wait3A_29] : memref<100000x768xf32, #tpu.memory_space<hbm>> -> memref<100000x768xf32, #tpu.memory_space<hbm>>
    tpu.wait_indirect_dma semaphore(%arg7 : memref<!tpu.dma_semaphore, #tpu.memory_space<semaphore_mem>>) src(%dma_wait3A_30 : memref<100000x768xf32, #tpu.memory_space<hbm>>) dst(%dma_wait3A_25 : memref<32x768xf32, #tpu.memory_space<vmem>>)
    %add3A_31 = arith.constant 0 : i32
    %add3A_32 = arith.addi %mul3A_2, %add3A_31 : i32
    %dma_start3A_33 = arith.constant 0 : i32
    %dma_start3A_34 = arith.constant 0 : i32
    %dma_start3A_35 = arith.constant 0 : i32
    %dma_start3A_36 = tpu.memref_slice %arg6[%dma_start3A_33, %dma_start3A_34, %dma_start3A_35] : memref<4x32x768xf32, #tpu.memory_space<vmem>> -> memref<1x32x768xf32, #tpu.memory_space<vmem>>
    %dma_start3A_37 = tpu.memref_squeeze %dma_start3A_36 : memref<1x32x768xf32, #tpu.memory_space<vmem>> -> memref<32x768xf32, #tpu.memory_space<vmem>>
    %dma_start3A_38 = arith.constant 0 : i32
    %dma_start3A_39 = tpu.memref_slice %arg4[%add3A_32, %dma_start3A_38] : memref<4096x768xf32, #tpu.memory_space<hbm>> -> memref<32x768xf32, #tpu.memory_space<hbm>>
    %dma_start3A_40 = arith.constant 0 : i32
    %dma_start3A_41 = tpu.memref_slice %arg4[%add3A_32, %dma_start3A_40] : memref<4096x768xf32, #tpu.memory_space<hbm>> -> memref<32x768xf32, #tpu.memory_space<hbm>>
    %dma_start3A_42 = arith.constant 0 : i32
    %dma_start3A_43 = arith.constant 0 : i32
    %dma_start3A_44 = tpu.memref_slice %arg6[%dma_start3A_33, %dma_start3A_42, %dma_start3A_43] : memref<4x32x768xf32, #tpu.memory_space<vmem>> -> memref<1x32x768xf32, #tpu.memory_space<vmem>>
    %dma_start3A_45 = tpu.memref_squeeze %dma_start3A_44 : memref<1x32x768xf32, #tpu.memory_space<vmem>> -> memref<32x768xf32, #tpu.memory_space<vmem>>
    tpu.enqueue_dma source(%dma_start3A_45 : memref<32x768xf32, #tpu.memory_space<vmem>>) target(%dma_start3A_41 : memref<32x768xf32, #tpu.memory_space<hbm>>) target_semaphore(%arg11 : memref<!tpu.dma_semaphore, #tpu.memory_space<semaphore_mem>>)
    %dma_start3A_46 = arith.constant 2 : i32
    %dma_start3A_47 = arith.constant 0 : i32
    %dma_start3A_48 = arith.constant 0 : i32
    %dma_start3A_49 = tpu.memref_slice %arg6[%dma_start3A_46, %dma_start3A_47, %dma_start3A_48] : memref<4x32x768xf32, #tpu.memory_space<vmem>> -> memref<1x32x768xf32, #tpu.memory_space<vmem>>
    %dma_start3A_50 = tpu.memref_squeeze %dma_start3A_49 : memref<1x32x768xf32, #tpu.memory_space<vmem>> -> memref<32x768xf32, #tpu.memory_space<vmem>>
    %dma_start3A_51 = arith.constant 64 : i32
    %dma_start3A_52 = tpu.memref_slice %arg5[%dma_start3A_51] : memref<128xi32, #tpu.memory_space<vmem>> -> memref<32xi32, #tpu.memory_space<vmem>>
    %dma_start3A_53 = arith.constant 0 : i32
    %dma_start3A_54 = arith.constant 0 : i32
    %dma_start3A_55 = tpu.memref_slice %arg2[%dma_start3A_53, %dma_start3A_54] : memref<100000x768xf32, #tpu.memory_space<hbm>> -> memref<100000x768xf32, #tpu.memory_space<hbm>>
    tpu.enqueue_indirect_dma source(%dma_start3A_55 : memref<100000x768xf32, #tpu.memory_space<hbm>>) target(%dma_start3A_50 : memref<32x768xf32, #tpu.memory_space<vmem>>) offsets(%dma_start3A_52 : memref<32xi32, #tpu.memory_space<vmem>>) semaphore(%arg9 : memref<!tpu.dma_semaphore, #tpu.memory_space<semaphore_mem>>)
    %dma_wait3A_56 = arith.constant 1 : i32
    %dma_wait3A_57 = arith.constant 0 : i32
    %dma_wait3A_58 = arith.constant 0 : i32
    %dma_wait3A_59 = tpu.memref_slice %arg6[%dma_wait3A_56, %dma_wait3A_57, %dma_wait3A_58] : memref<4x32x768xf32, #tpu.memory_space<vmem>> -> memref<1x32x768xf32, #tpu.memory_space<vmem>>
    %dma_wait3A_60 = tpu.memref_squeeze %dma_wait3A_59 : memref<1x32x768xf32, #tpu.memory_space<vmem>> -> memref<32x768xf32, #tpu.memory_space<vmem>>
    %dma_wait3A_61 = arith.constant 32 : i32
    %dma_wait3A_62 = tpu.memref_slice %arg5[%dma_wait3A_61] : memref<128xi32, #tpu.memory_space<vmem>> -> memref<32xi32, #tpu.memory_space<vmem>>
    %dma_wait3A_63 = arith.constant 0 : i32
    %dma_wait3A_64 = arith.constant 0 : i32
    %dma_wait3A_65 = tpu.memref_slice %arg2[%dma_wait3A_63, %dma_wait3A_64] : memref<100000x768xf32, #tpu.memory_space<hbm>> -> memref<100000x768xf32, #tpu.memory_space<hbm>>
    tpu.wait_indirect_dma semaphore(%arg8 : memref<!tpu.dma_semaphore, #tpu.memory_space<semaphore_mem>>) src(%dma_wait3A_65 : memref<100000x768xf32, #tpu.memory_space<hbm>>) dst(%dma_wait3A_60 : memref<32x768xf32, #tpu.memory_space<vmem>>)
    %add3A_66 = arith.constant 32 : i32
    %add3A_67 = arith.addi %mul3A_2, %add3A_66 : i32
    %dma_start3A_68 = arith.constant 1 : i32
    %dma_start3A_69 = arith.constant 0 : i32
    %dma_start3A_70 = arith.constant 0 : i32
    %dma_start3A_71 = tpu.memref_slice %arg6[%dma_start3A_68, %dma_start3A_69, %dma_start3A_70] : memref<4x32x768xf32, #tpu.memory_space<vmem>> -> memref<1x32x768xf32, #tpu.memory_space<vmem>>
    %dma_start3A_72 = tpu.memref_squeeze %dma_start3A_71 : memref<1x32x768xf32, #tpu.memory_space<vmem>> -> memref<32x768xf32, #tpu.memory_space<vmem>>
    %dma_start3A_73 = arith.constant 0 : i32
    %dma_start3A_74 = tpu.memref_slice %arg4[%add3A_67, %dma_start3A_73] : memref<4096x768xf32, #tpu.memory_space<hbm>> -> memref<32x768xf32, #tpu.memory_space<hbm>>
    %dma_start3A_75 = arith.constant 0 : i32
    %dma_start3A_76 = tpu.memref_slice %arg4[%add3A_67, %dma_start3A_75] : memref<4096x768xf32, #tpu.memory_space<hbm>> -> memref<32x768xf32, #tpu.memory_space<hbm>>
    %dma_start3A_77 = arith.constant 0 : i32
    %dma_start3A_78 = arith.constant 0 : i32
    %dma_start3A_79 = tpu.memref_slice %arg6[%dma_start3A_68, %dma_start3A_77, %dma_start3A_78] : memref<4x32x768xf32, #tpu.memory_space<vmem>> -> memref<1x32x768xf32, #tpu.memory_space<vmem>>
    %dma_start3A_80 = tpu.memref_squeeze %dma_start3A_79 : memref<1x32x768xf32, #tpu.memory_space<vmem>> -> memref<32x768xf32, #tpu.memory_space<vmem>>
    tpu.enqueue_dma source(%dma_start3A_80 : memref<32x768xf32, #tpu.memory_space<vmem>>) target(%dma_start3A_76 : memref<32x768xf32, #tpu.memory_space<hbm>>) target_semaphore(%arg12 : memref<!tpu.dma_semaphore, #tpu.memory_space<semaphore_mem>>)
    %dma_start3A_81 = arith.constant 3 : i32
    %dma_start3A_82 = arith.constant 0 : i32
    %dma_start3A_83 = arith.constant 0 : i32
    %dma_start3A_84 = tpu.memref_slice %arg6[%dma_start3A_81, %dma_start3A_82, %dma_start3A_83] : memref<4x32x768xf32, #tpu.memory_space<vmem>> -> memref<1x32x768xf32, #tpu.memory_space<vmem>>
    %dma_start3A_85 = tpu.memref_squeeze %dma_start3A_84 : memref<1x32x768xf32, #tpu.memory_space<vmem>> -> memref<32x768xf32, #tpu.memory_space<vmem>>
    %dma_start3A_86 = arith.constant 96 : i32
    %dma_start3A_87 = tpu.memref_slice %arg5[%dma_start3A_86] : memref<128xi32, #tpu.memory_space<vmem>> -> memref<32xi32, #tpu.memory_space<vmem>>
    %dma_start3A_88 = arith.constant 0 : i32
    %dma_start3A_89 = arith.constant 0 : i32
    %dma_start3A_90 = tpu.memref_slice %arg2[%dma_start3A_88, %dma_start3A_89] : memref<100000x768xf32, #tpu.memory_space<hbm>> -> memref<100000x768xf32, #tpu.memory_space<hbm>>
    tpu.enqueue_indirect_dma source(%dma_start3A_90 : memref<100000x768xf32, #tpu.memory_space<hbm>>) target(%dma_start3A_85 : memref<32x768xf32, #tpu.memory_space<vmem>>) offsets(%dma_start3A_87 : memref<32xi32, #tpu.memory_space<vmem>>) semaphore(%arg10 : memref<!tpu.dma_semaphore, #tpu.memory_space<semaphore_mem>>)
    %dma_wait3A_91 = arith.constant 2 : i32
    %dma_wait3A_92 = arith.constant 0 : i32
    %dma_wait3A_93 = arith.constant 0 : i32
    %dma_wait3A_94 = tpu.memref_slice %arg6[%dma_wait3A_91, %dma_wait3A_92, %dma_wait3A_93] : memref<4x32x768xf32, #tpu.memory_space<vmem>> -> memref<1x32x768xf32, #tpu.memory_space<vmem>>
    %dma_wait3A_95 = tpu.memref_squeeze %dma_wait3A_94 : memref<1x32x768xf32, #tpu.memory_space<vmem>> -> memref<32x768xf32, #tpu.memory_space<vmem>>
    %dma_wait3A_96 = arith.constant 64 : i32
    %dma_wait3A_97 = tpu.memref_slice %arg5[%dma_wait3A_96] : memref<128xi32, #tpu.memory_space<vmem>> -> memref<32xi32, #tpu.memory_space<vmem>>
    %dma_wait3A_98 = arith.constant 0 : i32
    %dma_wait3A_99 = arith.constant 0 : i32
    %dma_wait3A_100 = tpu.memref_slice %arg2[%dma_wait3A_98, %dma_wait3A_99] : memref<100000x768xf32, #tpu.memory_space<hbm>> -> memref<100000x768xf32, #tpu.memory_space<hbm>>
    tpu.wait_indirect_dma semaphore(%arg9 : memref<!tpu.dma_semaphore, #tpu.memory_space<semaphore_mem>>) src(%dma_wait3A_100 : memref<100000x768xf32, #tpu.memory_space<hbm>>) dst(%dma_wait3A_95 : memref<32x768xf32, #tpu.memory_space<vmem>>)
    %add3A_101 = arith.constant 64 : i32
    %add3A_102 = arith.addi %mul3A_2, %add3A_101 : i32
    %dma_start3A_103 = arith.constant 2 : i32
    %dma_start3A_104 = arith.constant 0 : i32
    %dma_start3A_105 = arith.constant 0 : i32
    %dma_start3A_106 = tpu.memref_slice %arg6[%dma_start3A_103, %dma_start3A_104, %dma_start3A_105] : memref<4x32x768xf32, #tpu.memory_space<vmem>> -> memref<1x32x768xf32, #tpu.memory_space<vmem>>
    %dma_start3A_107 = tpu.memref_squeeze %dma_start3A_106 : memref<1x32x768xf32, #tpu.memory_space<vmem>> -> memref<32x768xf32, #tpu.memory_space<vmem>>
    %dma_start3A_108 = arith.constant 0 : i32
    %dma_start3A_109 = tpu.memref_slice %arg4[%add3A_102, %dma_start3A_108] : memref<4096x768xf32, #tpu.memory_space<hbm>> -> memref<32x768xf32, #tpu.memory_space<hbm>>
    %dma_start3A_110 = arith.constant 0 : i32
    %dma_start3A_111 = tpu.memref_slice %arg4[%add3A_102, %dma_start3A_110] : memref<4096x768xf32, #tpu.memory_space<hbm>> -> memref<32x768xf32, #tpu.memory_space<hbm>>
    %dma_start3A_112 = arith.constant 0 : i32
    %dma_start3A_113 = arith.constant 0 : i32
    %dma_start3A_114 = tpu.memref_slice %arg6[%dma_start3A_103, %dma_start3A_112, %dma_start3A_113] : memref<4x32x768xf32, #tpu.memory_space<vmem>> -> memref<1x32x768xf32, #tpu.memory_space<vmem>>
    %dma_start3A_115 = tpu.memref_squeeze %dma_start3A_114 : memref<1x32x768xf32, #tpu.memory_space<vmem>> -> memref<32x768xf32, #tpu.memory_space<vmem>>
    tpu.enqueue_dma source(%dma_start3A_115 : memref<32x768xf32, #tpu.memory_space<vmem>>) target(%dma_start3A_111 : memref<32x768xf32, #tpu.memory_space<hbm>>) target_semaphore(%arg13 : memref<!tpu.dma_semaphore, #tpu.memory_space<semaphore_mem>>)
    %dma_wait3A_116 = arith.constant 3 : i32
    %dma_wait3A_117 = arith.constant 0 : i32
    %dma_wait3A_118 = arith.constant 0 : i32
    %dma_wait3A_119 = tpu.memref_slice %arg6[%dma_wait3A_116, %dma_wait3A_117, %dma_wait3A_118] : memref<4x32x768xf32, #tpu.memory_space<vmem>> -> memref<1x32x768xf32, #tpu.memory_space<vmem>>
    %dma_wait3A_120 = tpu.memref_squeeze %dma_wait3A_119 : memref<1x32x768xf32, #tpu.memory_space<vmem>> -> memref<32x768xf32, #tpu.memory_space<vmem>>
    %dma_wait3A_121 = arith.constant 96 : i32
    %dma_wait3A_122 = tpu.memref_slice %arg5[%dma_wait3A_121] : memref<128xi32, #tpu.memory_space<vmem>> -> memref<32xi32, #tpu.memory_space<vmem>>
    %dma_wait3A_123 = arith.constant 0 : i32
    %dma_wait3A_124 = arith.constant 0 : i32
    %dma_wait3A_125 = tpu.memref_slice %arg2[%dma_wait3A_123, %dma_wait3A_124] : memref<100000x768xf32, #tpu.memory_space<hbm>> -> memref<100000x768xf32, #tpu.memory_space<hbm>>
    tpu.wait_indirect_dma semaphore(%arg10 : memref<!tpu.dma_semaphore, #tpu.memory_space<semaphore_mem>>) src(%dma_wait3A_125 : memref<100000x768xf32, #tpu.memory_space<hbm>>) dst(%dma_wait3A_120 : memref<32x768xf32, #tpu.memory_space<vmem>>)
    %add3A_126 = arith.constant 96 : i32
    %add3A_127 = arith.addi %mul3A_2, %add3A_126 : i32
    %dma_start3A_128 = arith.constant 3 : i32
    %dma_start3A_129 = arith.constant 0 : i32
    %dma_start3A_130 = arith.constant 0 : i32
    %dma_start3A_131 = tpu.memref_slice %arg6[%dma_start3A_128, %dma_start3A_129, %dma_start3A_130] : memref<4x32x768xf32, #tpu.memory_space<vmem>> -> memref<1x32x768xf32, #tpu.memory_space<vmem>>
    %dma_start3A_132 = tpu.memref_squeeze %dma_start3A_131 : memref<1x32x768xf32, #tpu.memory_space<vmem>> -> memref<32x768xf32, #tpu.memory_space<vmem>>
    %dma_start3A_133 = arith.constant 0 : i32
    %dma_start3A_134 = tpu.memref_slice %arg4[%add3A_127, %dma_start3A_133] : memref<4096x768xf32, #tpu.memory_space<hbm>> -> memref<32x768xf32, #tpu.memory_space<hbm>>
    %dma_start3A_135 = arith.constant 0 : i32
    %dma_start3A_136 = tpu.memref_slice %arg4[%add3A_127, %dma_start3A_135] : memref<4096x768xf32, #tpu.memory_space<hbm>> -> memref<32x768xf32, #tpu.memory_space<hbm>>
    %dma_start3A_137 = arith.constant 0 : i32
    %dma_start3A_138 = arith.constant 0 : i32
    %dma_start3A_139 = tpu.memref_slice %arg6[%dma_start3A_128, %dma_start3A_137, %dma_start3A_138] : memref<4x32x768xf32, #tpu.memory_space<vmem>> -> memref<1x32x768xf32, #tpu.memory_space<vmem>>
    %dma_start3A_140 = tpu.memref_squeeze %dma_start3A_139 : memref<1x32x768xf32, #tpu.memory_space<vmem>> -> memref<32x768xf32, #tpu.memory_space<vmem>>
    tpu.enqueue_dma source(%dma_start3A_140 : memref<32x768xf32, #tpu.memory_space<vmem>>) target(%dma_start3A_136 : memref<32x768xf32, #tpu.memory_space<hbm>>) target_semaphore(%arg14 : memref<!tpu.dma_semaphore, #tpu.memory_space<semaphore_mem>>)
    %dma_wait3A_141 = arith.constant 0 : i32
    %dma_wait3A_142 = arith.constant 0 : i32
    %dma_wait3A_143 = arith.constant 0 : i32
    %dma_wait3A_144 = tpu.memref_slice %arg6[%dma_wait3A_141, %dma_wait3A_142, %dma_wait3A_143] : memref<4x32x768xf32, #tpu.memory_space<vmem>> -> memref<1x32x768xf32, #tpu.memory_space<vmem>>
    %dma_wait3A_145 = tpu.memref_squeeze %dma_wait3A_144 : memref<1x32x768xf32, #tpu.memory_space<vmem>> -> memref<32x768xf32, #tpu.memory_space<vmem>>
    %dma_wait3A_146 = arith.constant 0 : i32
    %dma_wait3A_147 = tpu.memref_slice %arg4[%add3A_32, %dma_wait3A_146] : memref<4096x768xf32, #tpu.memory_space<hbm>> -> memref<32x768xf32, #tpu.memory_space<hbm>>
    %dma_wait3A_148 = arith.constant 0 : i32
    %dma_wait3A_149 = tpu.memref_slice %arg4[%add3A_32, %dma_wait3A_148] : memref<4096x768xf32, #tpu.memory_space<hbm>> -> memref<32x768xf32, #tpu.memory_space<hbm>>
    %dma_wait3A_150 = arith.constant 0 : i32
    %dma_wait3A_151 = arith.constant 0 : i32
    %dma_wait3A_152 = tpu.memref_slice %arg6[%dma_wait3A_141, %dma_wait3A_150, %dma_wait3A_151] : memref<4x32x768xf32, #tpu.memory_space<vmem>> -> memref<1x32x768xf32, #tpu.memory_space<vmem>>
    %dma_wait3A_153 = tpu.memref_squeeze %dma_wait3A_152 : memref<1x32x768xf32, #tpu.memory_space<vmem>> -> memref<32x768xf32, #tpu.memory_space<vmem>>
    tpu.wait_dma2 semaphore(%arg11 : memref<!tpu.dma_semaphore, #tpu.memory_space<semaphore_mem>>) src(%dma_wait3A_153 : memref<32x768xf32, #tpu.memory_space<vmem>>) dst(%dma_wait3A_149 : memref<32x768xf32, #tpu.memory_space<hbm>>)
    %dma_wait3A_154 = arith.constant 1 : i32
    %dma_wait3A_155 = arith.constant 0 : i32
    %dma_wait3A_156 = arith.constant 0 : i32
    %dma_wait3A_157 = tpu.memref_slice %arg6[%dma_wait3A_154, %dma_wait3A_155, %dma_wait3A_156] : memref<4x32x768xf32, #tpu.memory_space<vmem>> -> memref<1x32x768xf32, #tpu.memory_space<vmem>>
    %dma_wait3A_158 = tpu.memref_squeeze %dma_wait3A_157 : memref<1x32x768xf32, #tpu.memory_space<vmem>> -> memref<32x768xf32, #tpu.memory_space<vmem>>
    %dma_wait3A_159 = arith.constant 0 : i32
    %dma_wait3A_160 = tpu.memref_slice %arg4[%add3A_67, %dma_wait3A_159] : memref<4096x768xf32, #tpu.memory_space<hbm>> -> memref<32x768xf32, #tpu.memory_space<hbm>>
    %dma_wait3A_161 = arith.constant 0 : i32
    %dma_wait3A_162 = tpu.memref_slice %arg4[%add3A_67, %dma_wait3A_161] : memref<4096x768xf32, #tpu.memory_space<hbm>> -> memref<32x768xf32, #tpu.memory_space<hbm>>
    %dma_wait3A_163 = arith.constant 0 : i32
    %dma_wait3A_164 = arith.constant 0 : i32
    %dma_wait3A_165 = tpu.memref_slice %arg6[%dma_wait3A_154, %dma_wait3A_163, %dma_wait3A_164] : memref<4x32x768xf32, #tpu.memory_space<vmem>> -> memref<1x32x768xf32, #tpu.memory_space<vmem>>
    %dma_wait3A_166 = tpu.memref_squeeze %dma_wait3A_165 : memref<1x32x768xf32, #tpu.memory_space<vmem>> -> memref<32x768xf32, #tpu.memory_space<vmem>>
    tpu.wait_dma2 semaphore(%arg12 : memref<!tpu.dma_semaphore, #tpu.memory_space<semaphore_mem>>) src(%dma_wait3A_166 : memref<32x768xf32, #tpu.memory_space<vmem>>) dst(%dma_wait3A_162 : memref<32x768xf32, #tpu.memory_space<hbm>>)
    %dma_wait3A_167 = arith.constant 2 : i32
    %dma_wait3A_168 = arith.constant 0 : i32
    %dma_wait3A_169 = arith.constant 0 : i32
    %dma_wait3A_170 = tpu.memref_slice %arg6[%dma_wait3A_167, %dma_wait3A_168, %dma_wait3A_169] : memref<4x32x768xf32, #tpu.memory_space<vmem>> -> memref<1x32x768xf32, #tpu.memory_space<vmem>>
    %dma_wait3A_171 = tpu.memref_squeeze %dma_wait3A_170 : memref<1x32x768xf32, #tpu.memory_space<vmem>> -> memref<32x768xf32, #tpu.memory_space<vmem>>
    %dma_wait3A_172 = arith.constant 0 : i32
    %dma_wait3A_173 = tpu.memref_slice %arg4[%add3A_102, %dma_wait3A_172] : memref<4096x768xf32, #tpu.memory_space<hbm>> -> memref<32x768xf32, #tpu.memory_space<hbm>>
    %dma_wait3A_174 = arith.constant 0 : i32
    %dma_wait3A_175 = tpu.memref_slice %arg4[%add3A_102, %dma_wait3A_174] : memref<4096x768xf32, #tpu.memory_space<hbm>> -> memref<32x768xf32, #tpu.memory_space<hbm>>
    %dma_wait3A_176 = arith.constant 0 : i32
    %dma_wait3A_177 = arith.constant 0 : i32
    %dma_wait3A_178 = tpu.memref_slice %arg6[%dma_wait3A_167, %dma_wait3A_176, %dma_wait3A_177] : memref<4x32x768xf32, #tpu.memory_space<vmem>> -> memref<1x32x768xf32, #tpu.memory_space<vmem>>
    %dma_wait3A_179 = tpu.memref_squeeze %dma_wait3A_178 : memref<1x32x768xf32, #tpu.memory_space<vmem>> -> memref<32x768xf32, #tpu.memory_space<vmem>>
    tpu.wait_dma2 semaphore(%arg13 : memref<!tpu.dma_semaphore, #tpu.memory_space<semaphore_mem>>) src(%dma_wait3A_179 : memref<32x768xf32, #tpu.memory_space<vmem>>) dst(%dma_wait3A_175 : memref<32x768xf32, #tpu.memory_space<hbm>>)
    %dma_wait3A_180 = arith.constant 3 : i32
    %dma_wait3A_181 = arith.constant 0 : i32
    %dma_wait3A_182 = arith.constant 0 : i32
    %dma_wait3A_183 = tpu.memref_slice %arg6[%dma_wait3A_180, %dma_wait3A_181, %dma_wait3A_182] : memref<4x32x768xf32, #tpu.memory_space<vmem>> -> memref<1x32x768xf32, #tpu.memory_space<vmem>>
    %dma_wait3A_184 = tpu.memref_squeeze %dma_wait3A_183 : memref<1x32x768xf32, #tpu.memory_space<vmem>> -> memref<32x768xf32, #tpu.memory_space<vmem>>
    %dma_wait3A_185 = arith.constant 0 : i32
    %dma_wait3A_186 = tpu.memref_slice %arg4[%add3A_127, %dma_wait3A_185] : memref<4096x768xf32, #tpu.memory_space<hbm>> -> memref<32x768xf32, #tpu.memory_space<hbm>>
    %dma_wait3A_187 = arith.constant 0 : i32
    %dma_wait3A_188 = tpu.memref_slice %arg4[%add3A_127, %dma_wait3A_187] : memref<4096x768xf32, #tpu.memory_space<hbm>> -> memref<32x768xf32, #tpu.memory_space<hbm>>
    %dma_wait3A_189 = arith.constant 0 : i32
    %dma_wait3A_190 = arith.constant 0 : i32
    %dma_wait3A_191 = tpu.memref_slice %arg6[%dma_wait3A_180, %dma_wait3A_189, %dma_wait3A_190] : memref<4x32x768xf32, #tpu.memory_space<vmem>> -> memref<1x32x768xf32, #tpu.memory_space<vmem>>
    %dma_wait3A_192 = tpu.memref_squeeze %dma_wait3A_191 : memref<1x32x768xf32, #tpu.memory_space<vmem>> -> memref<32x768xf32, #tpu.memory_space<vmem>>
    tpu.wait_dma2 semaphore(%arg14 : memref<!tpu.dma_semaphore, #tpu.memory_space<semaphore_mem>>) src(%dma_wait3A_192 : memref<32x768xf32, #tpu.memory_space<vmem>>) dst(%dma_wait3A_188 : memref<32x768xf32, #tpu.memory_space<hbm>>)
    return
  }
}

#map = affine_map<(d0, d1) -> (0, 0)>
#map1 = affine_map<(d0, d1) -> (0)>
module attributes {stable_mosaic.version = 14 : i64} {
  func.func @gather_kernel(%arg0: i32, %arg1: i32, %arg2: memref<100000x768xf32, #tpu.memory_space<hbm>>, %arg3: memref<4096xi32, #tpu.memory_space<hbm>>, %arg4: memref<4096x768xf32, #tpu.memory_space<hbm>>, %arg5: memref<128xi32, #tpu.memory_space<vmem>>, %arg6: memref<4x32x768xf32, #tpu.memory_space<vmem>>, %arg7: memref<!tpu.dma_semaphore, #tpu.memory_space<semaphore_mem>>, %arg8: memref<!tpu.dma_semaphore, #tpu.memory_space<semaphore_mem>>, %arg9: memref<!tpu.dma_semaphore, #tpu.memory_space<semaphore_mem>>, %arg10: memref<!tpu.dma_semaphore, #tpu.memory_space<semaphore_mem>>, %arg11: memref<!tpu.dma_semaphore, #tpu.memory_space<semaphore_mem>>, %arg12: memref<!tpu.dma_semaphore, #tpu.memory_space<semaphore_mem>>, %arg13: memref<!tpu.dma_semaphore, #tpu.memory_space<semaphore_mem>>, %arg14: memref<!tpu.dma_semaphore, #tpu.memory_space<semaphore_mem>>) attributes {dimension_semantics = [#tpu.dimension_semantics<core_parallel>, #tpu.dimension_semantics<subcore_parallel>], iteration_bounds = array<i64: 2, 16>, scalar_prefetch = 0 : i64, scratch_operands = 10 : i64, tpu.core_type = #tpu.core_type<sc_vector_subcore>, window_params = [{transform_indices = #map}, {transform_indices = #map1}, {transform_indices = #map}]} {
    %mul3A = arith.constant 2 : i32
    %mul3A_0 = arith.muli %arg1, %mul3A : i32
    %add3A = arith.addi %mul3A_0, %arg0 : i32
    %mul3A_1 = arith.constant 128 : i32
    %mul3A_2 = arith.muli %add3A, %mul3A_1 : i32
    "tpu.region"() ({
      %run_scoped3A = tpu.sem_alloc : memref<!tpu.dma_semaphore, #tpu.memory_space<semaphore_mem>>
      %dma_start3A_193 = tpu.memref_slice %arg3[%mul3A_2] : memref<4096xi32, #tpu.memory_space<hbm>> -> memref<128xi32, #tpu.memory_space<hbm>>
      %dma_start3A_194 = tpu.memref_slice %arg3[%mul3A_2] : memref<4096xi32, #tpu.memory_space<hbm>> -> memref<128xi32, #tpu.memory_space<hbm>>
      tpu.enqueue_dma source(%dma_start3A_194 : memref<128xi32, #tpu.memory_space<hbm>>) target(%arg5 : memref<128xi32, #tpu.memory_space<vmem>>) target_semaphore(%run_scoped3A : memref<!tpu.dma_semaphore, #tpu.memory_space<semaphore_mem>>)
      %dma_wait3A_195 = tpu.memref_slice %arg3[%mul3A_2] : memref<4096xi32, #tpu.memory_space<hbm>> -> memref<128xi32, #tpu.memory_space<hbm>>
      %dma_wait3A_196 = tpu.memref_slice %arg3[%mul3A_2] : memref<4096xi32, #tpu.memory_space<hbm>> -> memref<128xi32, #tpu.memory_space<hbm>>
      tpu.wait_dma2 semaphore(%run_scoped3A : memref<!tpu.dma_semaphore, #tpu.memory_space<semaphore_mem>>) src(%dma_wait3A_196 : memref<128xi32, #tpu.memory_space<hbm>>) dst(%arg5 : memref<128xi32, #tpu.memory_space<vmem>>)
      tpu.yield
    }) : () -> ()
    %dma_start3A = arith.constant 0 : i32
    %dma_start3A_3 = arith.constant 0 : i32
    %dma_start3A_4 = arith.constant 0 : i32
    %dma_start3A_5 = tpu.memref_slice %arg6[%dma_start3A, %dma_start3A_3, %dma_start3A_4] : memref<4x32x768xf32, #tpu.memory_space<vmem>> -> memref<1x32x768xf32, #tpu.memory_space<vmem>>
    %dma_start3A_6 = tpu.memref_squeeze %dma_start3A_5 : memref<1x32x768xf32, #tpu.memory_space<vmem>> -> memref<32x768xf32, #tpu.memory_space<vmem>>
    %dma_start3A_7 = arith.constant 0 : i32
    %dma_start3A_8 = tpu.memref_slice %arg5[%dma_start3A_7] : memref<128xi32, #tpu.memory_space<vmem>> -> memref<32xi32, #tpu.memory_space<vmem>>
    %dma_start3A_9 = arith.constant 0 : i32
    %dma_start3A_10 = arith.constant 0 : i32
    %dma_start3A_11 = tpu.memref_slice %arg2[%dma_start3A_9, %dma_start3A_10] : memref<100000x768xf32, #tpu.memory_space<hbm>> -> memref<100000x768xf32, #tpu.memory_space<hbm>>
    tpu.enqueue_indirect_dma source(%dma_start3A_11 : memref<100000x768xf32, #tpu.memory_space<hbm>>) target(%dma_start3A_6 : memref<32x768xf32, #tpu.memory_space<vmem>>) offsets(%dma_start3A_8 : memref<32xi32, #tpu.memory_space<vmem>>) semaphore(%arg7 : memref<!tpu.dma_semaphore, #tpu.memory_space<semaphore_mem>>)
    %dma_start3A_12 = arith.constant 1 : i32
    %dma_start3A_13 = arith.constant 0 : i32
    %dma_start3A_14 = arith.constant 0 : i32
    %dma_start3A_15 = tpu.memref_slice %arg6[%dma_start3A_12, %dma_start3A_13, %dma_start3A_14] : memref<4x32x768xf32, #tpu.memory_space<vmem>> -> memref<1x32x768xf32, #tpu.memory_space<vmem>>
    %dma_start3A_16 = tpu.memref_squeeze %dma_start3A_15 : memref<1x32x768xf32, #tpu.memory_space<vmem>> -> memref<32x768xf32, #tpu.memory_space<vmem>>
    %dma_start3A_17 = arith.constant 32 : i32
    %dma_start3A_18 = tpu.memref_slice %arg5[%dma_start3A_17] : memref<128xi32, #tpu.memory_space<vmem>> -> memref<32xi32, #tpu.memory_space<vmem>>
    %dma_start3A_19 = arith.constant 0 : i32
    %dma_start3A_20 = arith.constant 0 : i32
    %dma_start3A_21 = tpu.memref_slice %arg2[%dma_start3A_19, %dma_start3A_20] : memref<100000x768xf32, #tpu.memory_space<hbm>> -> memref<100000x768xf32, #tpu.memory_space<hbm>>
    tpu.enqueue_indirect_dma source(%dma_start3A_21 : memref<100000x768xf32, #tpu.memory_space<hbm>>) target(%dma_start3A_16 : memref<32x768xf32, #tpu.memory_space<vmem>>) offsets(%dma_start3A_18 : memref<32xi32, #tpu.memory_space<vmem>>) semaphore(%arg8 : memref<!tpu.dma_semaphore, #tpu.memory_space<semaphore_mem>>)
    %dma_wait3A = arith.constant 0 : i32
    %dma_wait3A_22 = arith.constant 0 : i32
    %dma_wait3A_23 = arith.constant 0 : i32
    %dma_wait3A_24 = tpu.memref_slice %arg6[%dma_wait3A, %dma_wait3A_22, %dma_wait3A_23] : memref<4x32x768xf32, #tpu.memory_space<vmem>> -> memref<1x32x768xf32, #tpu.memory_space<vmem>>
    %dma_wait3A_25 = tpu.memref_squeeze %dma_wait3A_24 : memref<1x32x768xf32, #tpu.memory_space<vmem>> -> memref<32x768xf32, #tpu.memory_space<vmem>>
    %dma_wait3A_26 = arith.constant 0 : i32
    %dma_wait3A_27 = tpu.memref_slice %arg5[%dma_wait3A_26] : memref<128xi32, #tpu.memory_space<vmem>> -> memref<32xi32, #tpu.memory_space<vmem>>
    %dma_wait3A_28 = arith.constant 0 : i32
    %dma_wait3A_29 = arith.constant 0 : i32
    %dma_wait3A_30 = tpu.memref_slice %arg2[%dma_wait3A_28, %dma_wait3A_29] : memref<100000x768xf32, #tpu.memory_space<hbm>> -> memref<100000x768xf32, #tpu.memory_space<hbm>>
    tpu.wait_indirect_dma semaphore(%arg7 : memref<!tpu.dma_semaphore, #tpu.memory_space<semaphore_mem>>) src(%dma_wait3A_30 : memref<100000x768xf32, #tpu.memory_space<hbm>>) dst(%dma_wait3A_25 : memref<32x768xf32, #tpu.memory_space<vmem>>)
    %add3A_31 = arith.constant 0 : i32
    %add3A_32 = arith.addi %mul3A_2, %add3A_31 : i32
    %dma_start3A_33 = arith.constant 0 : i32
    %dma_start3A_34 = arith.constant 0 : i32
    %dma_start3A_35 = arith.constant 0 : i32
    %dma_start3A_36 = tpu.memref_slice %arg6[%dma_start3A_33, %dma_start3A_34, %dma_start3A_35] : memref<4x32x768xf32, #tpu.memory_space<vmem>> -> memref<1x32x768xf32, #tpu.memory_space<vmem>>
    %dma_start3A_37 = tpu.memref_squeeze %dma_start3A_36 : memref<1x32x768xf32, #tpu.memory_space<vmem>> -> memref<32x768xf32, #tpu.memory_space<vmem>>
    %dma_start3A_38 = arith.constant 0 : i32
    %dma_start3A_39 = tpu.memref_slice %arg4[%add3A_32, %dma_start3A_38] : memref<4096x768xf32, #tpu.memory_space<hbm>> -> memref<32x768xf32, #tpu.memory_space<hbm>>
    %dma_start3A_40 = arith.constant 0 : i32
    %dma_start3A_41 = tpu.memref_slice %arg4[%add3A_32, %dma_start3A_40] : memref<4096x768xf32, #tpu.memory_space<hbm>> -> memref<32x768xf32, #tpu.memory_space<hbm>>
    %dma_start3A_42 = arith.constant 0 : i32
    %dma_start3A_43 = arith.constant 0 : i32
    %dma_start3A_44 = tpu.memref_slice %arg6[%dma_start3A_33, %dma_start3A_42, %dma_start3A_43] : memref<4x32x768xf32, #tpu.memory_space<vmem>> -> memref<1x32x768xf32, #tpu.memory_space<vmem>>
    %dma_start3A_45 = tpu.memref_squeeze %dma_start3A_44 : memref<1x32x768xf32, #tpu.memory_space<vmem>> -> memref<32x768xf32, #tpu.memory_space<vmem>>
    tpu.enqueue_dma source(%dma_start3A_45 : memref<32x768xf32, #tpu.memory_space<vmem>>) target(%dma_start3A_41 : memref<32x768xf32, #tpu.memory_space<hbm>>) target_semaphore(%arg11 : memref<!tpu.dma_semaphore, #tpu.memory_space<semaphore_mem>>)
    %dma_start3A_46 = arith.constant 2 : i32
    %dma_start3A_47 = arith.constant 0 : i32
    %dma_start3A_48 = arith.constant 0 : i32
    %dma_start3A_49 = tpu.memref_slice %arg6[%dma_start3A_46, %dma_start3A_47, %dma_start3A_48] : memref<4x32x768xf32, #tpu.memory_space<vmem>> -> memref<1x32x768xf32, #tpu.memory_space<vmem>>
    %dma_start3A_50 = tpu.memref_squeeze %dma_start3A_49 : memref<1x32x768xf32, #tpu.memory_space<vmem>> -> memref<32x768xf32, #tpu.memory_space<vmem>>
    %dma_start3A_51 = arith.constant 64 : i32
    %dma_start3A_52 = tpu.memref_slice %arg5[%dma_start3A_51] : memref<128xi32, #tpu.memory_space<vmem>> -> memref<32xi32, #tpu.memory_space<vmem>>
    %dma_start3A_53 = arith.constant 0 : i32
    %dma_start3A_54 = arith.constant 0 : i32
    %dma_start3A_55 = tpu.memref_slice %arg2[%dma_start3A_53, %dma_start3A_54] : memref<100000x768xf32, #tpu.memory_space<hbm>> -> memref<100000x768xf32, #tpu.memory_space<hbm>>
    tpu.enqueue_indirect_dma source(%dma_start3A_55 : memref<100000x768xf32, #tpu.memory_space<hbm>>) target(%dma_start3A_50 : memref<32x768xf32, #tpu.memory_space<vmem>>) offsets(%dma_start3A_52 : memref<32xi32, #tpu.memory_space<vmem>>) semaphore(%arg9 : memref<!tpu.dma_semaphore, #tpu.memory_space<semaphore_mem>>)
    %dma_wait3A_56 = arith.constant 1 : i32
    %dma_wait3A_57 = arith.constant 0 : i32
    %dma_wait3A_58 = arith.constant 0 : i32
    %dma_wait3A_59 = tpu.memref_slice %arg6[%dma_wait3A_56, %dma_wait3A_57, %dma_wait3A_58] : memref<4x32x768xf32, #tpu.memory_space<vmem>> -> memref<1x32x768xf32, #tpu.memory_space<vmem>>
    %dma_wait3A_60 = tpu.memref_squeeze %dma_wait3A_59 : memref<1x32x768xf32, #tpu.memory_space<vmem>> -> memref<32x768xf32, #tpu.memory_space<vmem>>
    %dma_wait3A_61 = arith.constant 32 : i32
    %dma_wait3A_62 = tpu.memref_slice %arg5[%dma_wait3A_61] : memref<128xi32, #tpu.memory_space<vmem>> -> memref<32xi32, #tpu.memory_space<vmem>>
    %dma_wait3A_63 = arith.constant 0 : i32
    %dma_wait3A_64 = arith.constant 0 : i32
    %dma_wait3A_65 = tpu.memref_slice %arg2[%dma_wait3A_63, %dma_wait3A_64] : memref<100000x768xf32, #tpu.memory_space<hbm>> -> memref<100000x768xf32, #tpu.memory_space<hbm>>
    tpu.wait_indirect_dma semaphore(%arg8 : memref<!tpu.dma_semaphore, #tpu.memory_space<semaphore_mem>>) src(%dma_wait3A_65 : memref<100000x768xf32, #tpu.memory_space<hbm>>) dst(%dma_wait3A_60 : memref<32x768xf32, #tpu.memory_space<vmem>>)
    %add3A_66 = arith.constant 32 : i32
    %add3A_67 = arith.addi %mul3A_2, %add3A_66 : i32
    %dma_start3A_68 = arith.constant 1 : i32
    %dma_start3A_69 = arith.constant 0 : i32
    %dma_start3A_70 = arith.constant 0 : i32
    %dma_start3A_71 = tpu.memref_slice %arg6[%dma_start3A_68, %dma_start3A_69, %dma_start3A_70] : memref<4x32x768xf32, #tpu.memory_space<vmem>> -> memref<1x32x768xf32, #tpu.memory_space<vmem>>
    %dma_start3A_72 = tpu.memref_squeeze %dma_start3A_71 : memref<1x32x768xf32, #tpu.memory_space<vmem>> -> memref<32x768xf32, #tpu.memory_space<vmem>>
    %dma_start3A_73 = arith.constant 0 : i32
    %dma_start3A_74 = tpu.memref_slice %arg4[%add3A_67, %dma_start3A_73] : memref<4096x768xf32, #tpu.memory_space<hbm>> -> memref<32x768xf32, #tpu.memory_space<hbm>>
    %dma_start3A_75 = arith.constant 0 : i32
    %dma_start3A_76 = tpu.memref_slice %arg4[%add3A_67, %dma_start3A_75] : memref<4096x768xf32, #tpu.memory_space<hbm>> -> memref<32x768xf32, #tpu.memory_space<hbm>>
    %dma_start3A_77 = arith.constant 0 : i32
    %dma_start3A_78 = arith.constant 0 : i32
    %dma_start3A_79 = tpu.memref_slice %arg6[%dma_start3A_68, %dma_start3A_77, %dma_start3A_78] : memref<4x32x768xf32, #tpu.memory_space<vmem>> -> memref<1x32x768xf32, #tpu.memory_space<vmem>>
    %dma_start3A_80 = tpu.memref_squeeze %dma_start3A_79 : memref<1x32x768xf32, #tpu.memory_space<vmem>> -> memref<32x768xf32, #tpu.memory_space<vmem>>
    tpu.enqueue_dma source(%dma_start3A_80 : memref<32x768xf32, #tpu.memory_space<vmem>>) target(%dma_start3A_76 : memref<32x768xf32, #tpu.memory_space<hbm>>) target_semaphore(%arg12 : memref<!tpu.dma_semaphore, #tpu.memory_space<semaphore_mem>>)
    %dma_start3A_81 = arith.constant 3 : i32
    %dma_start3A_82 = arith.constant 0 : i32
    %dma_start3A_83 = arith.constant 0 : i32
    %dma_start3A_84 = tpu.memref_slice %arg6[%dma_start3A_81, %dma_start3A_82, %dma_start3A_83] : memref<4x32x768xf32, #tpu.memory_space<vmem>> -> memref<1x32x768xf32, #tpu.memory_space<vmem>>
    %dma_start3A_85 = tpu.memref_squeeze %dma_start3A_84 : memref<1x32x768xf32, #tpu.memory_space<vmem>> -> memref<32x768xf32, #tpu.memory_space<vmem>>
    %dma_start3A_86 = arith.constant 96 : i32
    %dma_start3A_87 = tpu.memref_slice %arg5[%dma_start3A_86] : memref<128xi32, #tpu.memory_space<vmem>> -> memref<32xi32, #tpu.memory_space<vmem>>
    %dma_start3A_88 = arith.constant 0 : i32
    %dma_start3A_89 = arith.constant 0 : i32
    %dma_start3A_90 = tpu.memref_slice %arg2[%dma_start3A_88, %dma_start3A_89] : memref<100000x768xf32, #tpu.memory_space<hbm>> -> memref<100000x768xf32, #tpu.memory_space<hbm>>
    tpu.enqueue_indirect_dma source(%dma_start3A_90 : memref<100000x768xf32, #tpu.memory_space<hbm>>) target(%dma_start3A_85 : memref<32x768xf32, #tpu.memory_space<vmem>>) offsets(%dma_start3A_87 : memref<32xi32, #tpu.memory_space<vmem>>) semaphore(%arg10 : memref<!tpu.dma_semaphore, #tpu.memory_space<semaphore_mem>>)
    %dma_wait3A_91 = arith.constant 2 : i32
    %dma_wait3A_92 = arith.constant 0 : i32
    %dma_wait3A_93 = arith.constant 0 : i32
    %dma_wait3A_94 = tpu.memref_slice %arg6[%dma_wait3A_91, %dma_wait3A_92, %dma_wait3A_93] : memref<4x32x768xf32, #tpu.memory_space<vmem>> -> memref<1x32x768xf32, #tpu.memory_space<vmem>>
    %dma_wait3A_95 = tpu.memref_squeeze %dma_wait3A_94 : memref<1x32x768xf32, #tpu.memory_space<vmem>> -> memref<32x768xf32, #tpu.memory_space<vmem>>
    %dma_wait3A_96 = arith.constant 64 : i32
    %dma_wait3A_97 = tpu.memref_slice %arg5[%dma_wait3A_96] : memref<128xi32, #tpu.memory_space<vmem>> -> memref<32xi32, #tpu.memory_space<vmem>>
    %dma_wait3A_98 = arith.constant 0 : i32
    %dma_wait3A_99 = arith.constant 0 : i32
    %dma_wait3A_100 = tpu.memref_slice %arg2[%dma_wait3A_98, %dma_wait3A_99] : memref<100000x768xf32, #tpu.memory_space<hbm>> -> memref<100000x768xf32, #tpu.memory_space<hbm>>
    tpu.wait_indirect_dma semaphore(%arg9 : memref<!tpu.dma_semaphore, #tpu.memory_space<semaphore_mem>>) src(%dma_wait3A_100 : memref<100000x768xf32, #tpu.memory_space<hbm>>) dst(%dma_wait3A_95 : memref<32x768xf32, #tpu.memory_space<vmem>>)
    %add3A_101 = arith.constant 64 : i32
    %add3A_102 = arith.addi %mul3A_2, %add3A_101 : i32
    %dma_start3A_103 = arith.constant 2 : i32
    %dma_start3A_104 = arith.constant 0 : i32
    %dma_start3A_105 = arith.constant 0 : i32
    %dma_start3A_106 = tpu.memref_slice %arg6[%dma_start3A_103, %dma_start3A_104, %dma_start3A_105] : memref<4x32x768xf32, #tpu.memory_space<vmem>> -> memref<1x32x768xf32, #tpu.memory_space<vmem>>
    %dma_start3A_107 = tpu.memref_squeeze %dma_start3A_106 : memref<1x32x768xf32, #tpu.memory_space<vmem>> -> memref<32x768xf32, #tpu.memory_space<vmem>>
    %dma_start3A_108 = arith.constant 0 : i32
    %dma_start3A_109 = tpu.memref_slice %arg4[%add3A_102, %dma_start3A_108] : memref<4096x768xf32, #tpu.memory_space<hbm>> -> memref<32x768xf32, #tpu.memory_space<hbm>>
    %dma_start3A_110 = arith.constant 0 : i32
    %dma_start3A_111 = tpu.memref_slice %arg4[%add3A_102, %dma_start3A_110] : memref<4096x768xf32, #tpu.memory_space<hbm>> -> memref<32x768xf32, #tpu.memory_space<hbm>>
    %dma_start3A_112 = arith.constant 0 : i32
    %dma_start3A_113 = arith.constant 0 : i32
    %dma_start3A_114 = tpu.memref_slice %arg6[%dma_start3A_103, %dma_start3A_112, %dma_start3A_113] : memref<4x32x768xf32, #tpu.memory_space<vmem>> -> memref<1x32x768xf32, #tpu.memory_space<vmem>>
    %dma_start3A_115 = tpu.memref_squeeze %dma_start3A_114 : memref<1x32x768xf32, #tpu.memory_space<vmem>> -> memref<32x768xf32, #tpu.memory_space<vmem>>
    tpu.enqueue_dma source(%dma_start3A_115 : memref<32x768xf32, #tpu.memory_space<vmem>>) target(%dma_start3A_111 : memref<32x768xf32, #tpu.memory_space<hbm>>) target_semaphore(%arg13 : memref<!tpu.dma_semaphore, #tpu.memory_space<semaphore_mem>>)
    %dma_wait3A_116 = arith.constant 3 : i32
    %dma_wait3A_117 = arith.constant 0 : i32
    %dma_wait3A_118 = arith.constant 0 : i32
    %dma_wait3A_119 = tpu.memref_slice %arg6[%dma_wait3A_116, %dma_wait3A_117, %dma_wait3A_118] : memref<4x32x768xf32, #tpu.memory_space<vmem>> -> memref<1x32x768xf32, #tpu.memory_space<vmem>>
    %dma_wait3A_120 = tpu.memref_squeeze %dma_wait3A_119 : memref<1x32x768xf32, #tpu.memory_space<vmem>> -> memref<32x768xf32, #tpu.memory_space<vmem>>
    %dma_wait3A_121 = arith.constant 96 : i32
    %dma_wait3A_122 = tpu.memref_slice %arg5[%dma_wait3A_121] : memref<128xi32, #tpu.memory_space<vmem>> -> memref<32xi32, #tpu.memory_space<vmem>>
    %dma_wait3A_123 = arith.constant 0 : i32
    %dma_wait3A_124 = arith.constant 0 : i32
    %dma_wait3A_125 = tpu.memref_slice %arg2[%dma_wait3A_123, %dma_wait3A_124] : memref<100000x768xf32, #tpu.memory_space<hbm>> -> memref<100000x768xf32, #tpu.memory_space<hbm>>
    tpu.wait_indirect_dma semaphore(%arg10 : memref<!tpu.dma_semaphore, #tpu.memory_space<semaphore_mem>>) src(%dma_wait3A_125 : memref<100000x768xf32, #tpu.memory_space<hbm>>) dst(%dma_wait3A_120 : memref<32x768xf32, #tpu.memory_space<vmem>>)
    %add3A_126 = arith.constant 96 : i32
    %add3A_127 = arith.addi %mul3A_2, %add3A_126 : i32
    %dma_start3A_128 = arith.constant 3 : i32
    %dma_start3A_129 = arith.constant 0 : i32
    %dma_start3A_130 = arith.constant 0 : i32
    %dma_start3A_131 = tpu.memref_slice %arg6[%dma_start3A_128, %dma_start3A_129, %dma_start3A_130] : memref<4x32x768xf32, #tpu.memory_space<vmem>> -> memref<1x32x768xf32, #tpu.memory_space<vmem>>
    %dma_start3A_132 = tpu.memref_squeeze %dma_start3A_131 : memref<1x32x768xf32, #tpu.memory_space<vmem>> -> memref<32x768xf32, #tpu.memory_space<vmem>>
    %dma_start3A_133 = arith.constant 0 : i32
    %dma_start3A_134 = tpu.memref_slice %arg4[%add3A_127, %dma_start3A_133] : memref<4096x768xf32, #tpu.memory_space<hbm>> -> memref<32x768xf32, #tpu.memory_space<hbm>>
    %dma_start3A_135 = arith.constant 0 : i32
    %dma_start3A_136 = tpu.memref_slice %arg4[%add3A_127, %dma_start3A_135] : memref<4096x768xf32, #tpu.memory_space<hbm>> -> memref<32x768xf32, #tpu.memory_space<hbm>>
    %dma_start3A_137 = arith.constant 0 : i32
    %dma_start3A_138 = arith.constant 0 : i32
    %dma_start3A_139 = tpu.memref_slice %arg6[%dma_start3A_128, %dma_start3A_137, %dma_start3A_138] : memref<4x32x768xf32, #tpu.memory_space<vmem>> -> memref<1x32x768xf32, #tpu.memory_space<vmem>>
    %dma_start3A_140 = tpu.memref_squeeze %dma_start3A_139 : memref<1x32x768xf32, #tpu.memory_space<vmem>> -> memref<32x768xf32, #tpu.memory_space<vmem>>
    tpu.enqueue_dma source(%dma_start3A_140 : memref<32x768xf32, #tpu.memory_space<vmem>>) target(%dma_start3A_136 : memref<32x768xf32, #tpu.memory_space<hbm>>) target_semaphore(%arg14 : memref<!tpu.dma_semaphore, #tpu.memory_space<semaphore_mem>>)
    %dma_wait3A_141 = arith.constant 0 : i32
    %dma_wait3A_142 = arith.constant 0 : i32
    %dma_wait3A_143 = arith.constant 0 : i32
    %dma_wait3A_144 = tpu.memref_slice %arg6[%dma_wait3A_141, %dma_wait3A_142, %dma_wait3A_143] : memref<4x32x768xf32, #tpu.memory_space<vmem>> -> memref<1x32x768xf32, #tpu.memory_space<vmem>>
    %dma_wait3A_145 = tpu.memref_squeeze %dma_wait3A_144 : memref<1x32x768xf32, #tpu.memory_space<vmem>> -> memref<32x768xf32, #tpu.memory_space<vmem>>
    %dma_wait3A_146 = arith.constant 0 : i32
    %dma_wait3A_147 = tpu.memref_slice %arg4[%add3A_32, %dma_wait3A_146] : memref<4096x768xf32, #tpu.memory_space<hbm>> -> memref<32x768xf32, #tpu.memory_space<hbm>>
    %dma_wait3A_148 = arith.constant 0 : i32
    %dma_wait3A_149 = tpu.memref_slice %arg4[%add3A_32, %dma_wait3A_148] : memref<4096x768xf32, #tpu.memory_space<hbm>> -> memref<32x768xf32, #tpu.memory_space<hbm>>
    %dma_wait3A_150 = arith.constant 0 : i32
    %dma_wait3A_151 = arith.constant 0 : i32
    %dma_wait3A_152 = tpu.memref_slice %arg6[%dma_wait3A_141, %dma_wait3A_150, %dma_wait3A_151] : memref<4x32x768xf32, #tpu.memory_space<vmem>> -> memref<1x32x768xf32, #tpu.memory_space<vmem>>
    %dma_wait3A_153 = tpu.memref_squeeze %dma_wait3A_152 : memref<1x32x768xf32, #tpu.memory_space<vmem>> -> memref<32x768xf32, #tpu.memory_space<vmem>>
    tpu.wait_dma2 semaphore(%arg11 : memref<!tpu.dma_semaphore, #tpu.memory_space<semaphore_mem>>) src(%dma_wait3A_153 : memref<32x768xf32, #tpu.memory_space<vmem>>) dst(%dma_wait3A_149 : memref<32x768xf32, #tpu.memory_space<hbm>>)
    %dma_wait3A_154 = arith.constant 1 : i32
    %dma_wait3A_155 = arith.constant 0 : i32
    %dma_wait3A_156 = arith.constant 0 : i32
    %dma_wait3A_157 = tpu.memref_slice %arg6[%dma_wait3A_154, %dma_wait3A_155, %dma_wait3A_156] : memref<4x32x768xf32, #tpu.memory_space<vmem>> -> memref<1x32x768xf32, #tpu.memory_space<vmem>>
    %dma_wait3A_158 = tpu.memref_squeeze %dma_wait3A_157 : memref<1x32x768xf32, #tpu.memory_space<vmem>> -> memref<32x768xf32, #tpu.memory_space<vmem>>
    %dma_wait3A_159 = arith.constant 0 : i32
    %dma_wait3A_160 = tpu.memref_slice %arg4[%add3A_67, %dma_wait3A_159] : memref<4096x768xf32, #tpu.memory_space<hbm>> -> memref<32x768xf32, #tpu.memory_space<hbm>>
    %dma_wait3A_161 = arith.constant 0 : i32
    %dma_wait3A_162 = tpu.memref_slice %arg4[%add3A_67, %dma_wait3A_161] : memref<4096x768xf32, #tpu.memory_space<hbm>> -> memref<32x768xf32, #tpu.memory_space<hbm>>
    %dma_wait3A_163 = arith.constant 0 : i32
    %dma_wait3A_164 = arith.constant 0 : i32
    %dma_wait3A_165 = tpu.memref_slice %arg6[%dma_wait3A_154, %dma_wait3A_163, %dma_wait3A_164] : memref<4x32x768xf32, #tpu.memory_space<vmem>> -> memref<1x32x768xf32, #tpu.memory_space<vmem>>
    %dma_wait3A_166 = tpu.memref_squeeze %dma_wait3A_165 : memref<1x32x768xf32, #tpu.memory_space<vmem>> -> memref<32x768xf32, #tpu.memory_space<vmem>>
    tpu.wait_dma2 semaphore(%arg12 : memref<!tpu.dma_semaphore, #tpu.memory_space<semaphore_mem>>) src(%dma_wait3A_166 : memref<32x768xf32, #tpu.memory_space<vmem>>) dst(%dma_wait3A_162 : memref<32x768xf32, #tpu.memory_space<hbm>>)
    %dma_wait3A_167 = arith.constant 2 : i32
    %dma_wait3A_168 = arith.constant 0 : i32
    %dma_wait3A_169 = arith.constant 0 : i32
    %dma_wait3A_170 = tpu.memref_slice %arg6[%dma_wait3A_167, %dma_wait3A_168, %dma_wait3A_169] : memref<4x32x768xf32, #tpu.memory_space<vmem>> -> memref<1x32x768xf32, #tpu.memory_space<vmem>>
    %dma_wait3A_171 = tpu.memref_squeeze %dma_wait3A_170 : memref<1x32x768xf32, #tpu.memory_space<vmem>> -> memref<32x768xf32, #tpu.memory_space<vmem>>
    %dma_wait3A_172 = arith.constant 0 : i32
    %dma_wait3A_173 = tpu.memref_slice %arg4[%add3A_102, %dma_wait3A_172] : memref<4096x768xf32, #tpu.memory_space<hbm>> -> memref<32x768xf32, #tpu.memory_space<hbm>>
    %dma_wait3A_174 = arith.constant 0 : i32
    %dma_wait3A_175 = tpu.memref_slice %arg4[%add3A_102, %dma_wait3A_174] : memref<4096x768xf32, #tpu.memory_space<hbm>> -> memref<32x768xf32, #tpu.memory_space<hbm>>
    %dma_wait3A_176 = arith.constant 0 : i32
    %dma_wait3A_177 = arith.constant 0 : i32
    %dma_wait3A_178 = tpu.memref_slice %arg6[%dma_wait3A_167, %dma_wait3A_176, %dma_wait3A_177] : memref<4x32x768xf32, #tpu.memory_space<vmem>> -> memref<1x32x768xf32, #tpu.memory_space<vmem>>
    %dma_wait3A_179 = tpu.memref_squeeze %dma_wait3A_178 : memref<1x32x768xf32, #tpu.memory_space<vmem>> -> memref<32x768xf32, #tpu.memory_space<vmem>>
    tpu.wait_dma2 semaphore(%arg13 : memref<!tpu.dma_semaphore, #tpu.memory_space<semaphore_mem>>) src(%dma_wait3A_179 : memref<32x768xf32, #tpu.memory_space<vmem>>) dst(%dma_wait3A_175 : memref<32x768xf32, #tpu.memory_space<hbm>>)
    %dma_wait3A_180 = arith.constant 3 : i32
    %dma_wait3A_181 = arith.constant 0 : i32
    %dma_wait3A_182 = arith.constant 0 : i32
    %dma_wait3A_183 = tpu.memref_slice %arg6[%dma_wait3A_180, %dma_wait3A_181, %dma_wait3A_182] : memref<4x32x768xf32, #tpu.memory_space<vmem>> -> memref<1x32x768xf32, #tpu.memory_space<vmem>>
    %dma_wait3A_184 = tpu.memref_squeeze %dma_wait3A_183 : memref<1x32x768xf32, #tpu.memory_space<vmem>> -> memref<32x768xf32, #tpu.memory_space<vmem>>
    %dma_wait3A_185 = arith.constant 0 : i32
    %dma_wait3A_186 = tpu.memref_slice %arg4[%add3A_127, %dma_wait3A_185] : memref<4096x768xf32, #tpu.memory_space<hbm>> -> memref<32x768xf32, #tpu.memory_space<hbm>>
    %dma_wait3A_187 = arith.constant 0 : i32
    %dma_wait3A_188 = tpu.memref_slice %arg4[%add3A_127, %dma_wait3A_187] : memref<4096x768xf32, #tpu.memory_space<hbm>> -> memref<32x768xf32, #tpu.memory_space<hbm>>
    %dma_wait3A_189 = arith.constant 0 : i32
    %dma_wait3A_190 = arith.constant 0 : i32
    %dma_wait3A_191 = tpu.memref_slice %arg6[%dma_wait3A_180, %dma_wait3A_189, %dma_wait3A_190] : memref<4x32x768xf32, #tpu.memory_space<vmem>> -> memref<1x32x768xf32, #tpu.memory_space<vmem>>
    %dma_wait3A_192 = tpu.memref_squeeze %dma_wait3A_191 : memref<1x32x768xf32, #tpu.memory_space<vmem>> -> memref<32x768xf32, #tpu.memory_space<vmem>>
    tpu.wait_dma2 semaphore(%arg14 : memref<!tpu.dma_semaphore, #tpu.memory_space<semaphore_mem>>) src(%dma_wait3A_192 : memref<32x768xf32, #tpu.memory_space<vmem>>) dst(%dma_wait3A_188 : memref<32x768xf32, #tpu.memory_space<hbm>>)
    return
  }
}

module attributes {stable_mosaic.version = 14 : i64} {
  func.func @body(%arg0: i32, %arg1: i32, %arg2: memref<2048x768xf32, #tpu.memory_space<vmem>>, %arg3: memref<2048x768xf32, #tpu.memory_space<vmem>>, %arg4: memref<2x768xf32, #tpu.memory_space<vmem>>, %arg5: memref<2048x1xi32, #tpu.memory_space<vmem>>, %arg6: memref<1x768xf32, #tpu.memory_space<vmem>>, %arg7: memref<1x768xf32, #tpu.memory_space<vmem>>, %arg8: memref<2048x768xf32, #tpu.memory_space<vmem>>) attributes {dimension_semantics = [#tpu.dimension_semantics<arbitrary>, #tpu.dimension_semantics<arbitrary>], iteration_bounds = array<i64: 1, 2>, scalar_prefetch = 0 : i64, scratch_operands = 0 : i64, tpu.core_type = #tpu.core_type<tc>, window_params = [{transform_indices = @transform_0, window_bounds = array<i64: 2048, 768>}, {transform_indices = @transform_1, window_bounds = array<i64: 2048, 768>}, {pipeline_mode = #tpu.pipeline_mode<synchronous>, transform_indices = @transform_2, window_bounds = array<i64: 2, 768>}, {transform_indices = @transform_3, window_bounds = array<i64: 2048, 1>}, {pipeline_mode = #tpu.pipeline_mode<synchronous>, transform_indices = @transform_4, window_bounds = array<i64: 1, 768>}, {pipeline_mode = #tpu.pipeline_mode<synchronous>, transform_indices = @transform_5, window_bounds = array<i64: 1, 768>}, {transform_indices = @transform_6, window_bounds = array<i64: 2048, 768>}]} {
    %get3A = arith.constant 0 : index
    %get3A_0 = arith.constant 0 : index
    %get3A_1 = vector.load %arg4[%get3A, %get3A_0] : memref<2x768xf32, #tpu.memory_space<vmem>>, vector<1x768xf32>
    %get3A_2 = arith.constant 1 : index
    %get3A_3 = arith.constant 0 : index
    %get3A_4 = vector.load %arg4[%get3A_2, %get3A_3] : memref<2x768xf32, #tpu.memory_space<vmem>>, vector<1x768xf32>
    %sub3A = arith.subf %get3A_4, %get3A_1 : vector<1x768xf32>
    %get3A_5 = arith.constant 0 : index
    %get3A_6 = arith.constant 0 : index
    %get3A_7 = vector.load %arg2[%get3A_5, %get3A_6] : memref<2048x768xf32, #tpu.memory_space<vmem>>, vector<2048x768xf32>
    %get3A_8 = arith.constant 0 : index
    %get3A_9 = arith.constant 0 : index
    %get3A_10 = vector.load %arg3[%get3A_8, %get3A_9] : memref<2048x768xf32, #tpu.memory_space<vmem>>, vector<2048x768xf32>
    %add3A = arith.addf %get3A_7, %get3A_10 : vector<2048x768xf32>
    %add3A_11 = vector.broadcast %get3A_1 : vector<1x768xf32> to vector<2048x768xf32>
    %add3A_12 = arith.addf %add3A, %add3A_11 : vector<2048x768xf32>
    %get3A_13 = arith.constant 0 : index
    %get3A_14 = arith.constant 0 : index
    %get3A_15 = vector.load %arg5[%get3A_13, %get3A_14] : memref<2048x1xi32, #tpu.memory_space<vmem>>, vector<2048x1xi32>
    %convert_element_type3A = arith.sitofp %get3A_15 : vector<2048x1xi32> to vector<2048x1xf32>
    %mul3A = vector.broadcast %convert_element_type3A : vector<2048x1xf32> to vector<2048x768xf32>
    %mul3A_16 = vector.broadcast %sub3A : vector<1x768xf32> to vector<2048x768xf32>
    %mul3A_17 = arith.mulf %mul3A, %mul3A_16 : vector<2048x768xf32>
    %add3A_18 = arith.addf %add3A_12, %mul3A_17 : vector<2048x768xf32>
    %reduce_sum3A = arith.constant dense<0.000000e+00> : vector<2048xf32>
    %reduce_sum3A_19 = vector.multi_reduction <add>, %add3A_18, %reduce_sum3A [1] : vector<2048x768xf32> to vector<2048xf32>
    %broadcast_in_dim3A = vector.shape_cast %reduce_sum3A_19 : vector<2048xf32> to vector<2048x1xf32>
    %div3A = arith.constant 7.680000e+02 : f32
    %div3A_20 = vector.broadcast %div3A : f32 to vector<2048x1xf32>
    %div3A_21 = arith.divf %broadcast_in_dim3A, %div3A_20 : vector<2048x1xf32>
    %sub3A_22 = vector.broadcast %div3A_21 : vector<2048x1xf32> to vector<2048x768xf32>
    %sub3A_23 = arith.subf %add3A_18, %sub3A_22 : vector<2048x768xf32>
    %mul3A_24 = arith.mulf %sub3A_23, %sub3A_23 : vector<2048x768xf32>
    %reduce_sum3A_25 = arith.constant dense<0.000000e+00> : vector<2048xf32>
    %reduce_sum3A_26 = vector.multi_reduction <add>, %mul3A_24, %reduce_sum3A_25 [1] : vector<2048x768xf32> to vector<2048xf32>
    %broadcast_in_dim3A_27 = vector.shape_cast %reduce_sum3A_26 : vector<2048xf32> to vector<2048x1xf32>
    %div3A_28 = arith.constant 7.680000e+02 : f32
    %div3A_29 = vector.broadcast %div3A_28 : f32 to vector<2048x1xf32>
    %div3A_30 = arith.divf %broadcast_in_dim3A_27, %div3A_29 : vector<2048x1xf32>
    %add3A_31 = arith.constant 9.99999996E-13 : f32
    %add3A_32 = vector.broadcast %add3A_31 : f32 to vector<2048x1xf32>
    %add3A_33 = arith.addf %div3A_30, %add3A_32 : vector<2048x1xf32>
    %rsqrt3A = math.rsqrt %add3A_33 : vector<2048x1xf32>
    %mul3A_34 = vector.broadcast %rsqrt3A : vector<2048x1xf32> to vector<2048x768xf32>
    %mul3A_35 = arith.mulf %sub3A_23, %mul3A_34 : vector<2048x768xf32>
    %get3A_36 = arith.constant 0 : index
    %get3A_37 = arith.constant 0 : index
    %get3A_38 = vector.load %arg6[%get3A_36, %get3A_37] : memref<1x768xf32, #tpu.memory_space<vmem>>, vector<1x768xf32>
    %mul3A_39 = vector.broadcast %get3A_38 : vector<1x768xf32> to vector<2048x768xf32>
    %mul3A_40 = arith.mulf %mul3A_35, %mul3A_39 : vector<2048x768xf32>
    %get3A_41 = arith.constant 0 : index
    %get3A_42 = arith.constant 0 : index
    %get3A_43 = vector.load %arg7[%get3A_41, %get3A_42] : memref<1x768xf32, #tpu.memory_space<vmem>>, vector<1x768xf32>
    %add3A_44 = vector.broadcast %get3A_43 : vector<1x768xf32> to vector<2048x768xf32>
    %add3A_45 = arith.addf %mul3A_40, %add3A_44 : vector<2048x768xf32>
    %swap3A = arith.constant 0 : index
    %swap3A_46 = arith.constant 0 : index
    %swap3A_47 = vector.load %arg8[%swap3A, %swap3A_46] : memref<2048x768xf32, #tpu.memory_space<vmem>>, vector<2048x768xf32>
    tpu.vector_store %arg8[%swap3A, %swap3A_46], %add3A_45 {strides = array<i32>} : memref<2048x768xf32, #tpu.memory_space<vmem>>, vector<2048x768xf32>,
    return
  }
  func.func @transform_0(%arg0: i32, %arg1: i32) -> (i32, i32) {
    %mul3A = arith.constant 1 : i32
    %mul3A_0 = arith.muli %arg1, %mul3A : i32
    %add3A = arith.addi %mul3A_0, %arg0 : i32
    %c0_i32 = arith.constant 0 : i32
    %c0_i32_1 = arith.constant 0 : i32
    return %add3A, %c0_i32 : i32, i32
  }
  func.func @transform_1(%arg0: i32, %arg1: i32) -> (i32, i32) {
    %add3A = arith.constant 0 : i32
    %add3A_0 = arith.addi %arg0, %add3A : i32
    %rem3A = arith.constant 1 : i32
    %rem3A_1 = arith.remsi %add3A_0, %rem3A : i32
    %c0_i32 = arith.constant 0 : i32
    %c0_i32_2 = arith.constant 0 : i32
    return %rem3A_1, %c0_i32 : i32, i32
  }
  func.func @transform_2(%arg0: i32, %arg1: i32) -> (i32, i32) {
    %c0_i32 = arith.constant 0 : i32
    %c0_i32_0 = arith.constant 0 : i32
    %c0_i32_1 = arith.constant 0 : i32
    return %c0_i32, %c0_i32_0 : i32, i32
  }
  func.func @transform_3(%arg0: i32, %arg1: i32) -> (i32, i32) {
    %mul3A = arith.constant 1 : i32
    %mul3A_0 = arith.muli %arg1, %mul3A : i32
    %add3A = arith.addi %mul3A_0, %arg0 : i32
    %c0_i32 = arith.constant 0 : i32
    %c0_i32_1 = arith.constant 0 : i32
    return %add3A, %c0_i32 : i32, i32
  }
  func.func @transform_4(%arg0: i32, %arg1: i32) -> (i32, i32) {
    %c0_i32 = arith.constant 0 : i32
    %c0_i32_0 = arith.constant 0 : i32
    %c0_i32_1 = arith.constant 0 : i32
    return %c0_i32, %c0_i32_0 : i32, i32
  }
  func.func @transform_5(%arg0: i32, %arg1: i32) -> (i32, i32) {
    %c0_i32 = arith.constant 0 : i32
    %c0_i32_0 = arith.constant 0 : i32
    %c0_i32_1 = arith.constant 0 : i32
    return %c0_i32, %c0_i32_0 : i32, i32
  }
  func.func @transform_6(%arg0: i32, %arg1: i32) -> (i32, i32) {
    %mul3A = arith.constant 1 : i32
    %mul3A_0 = arith.muli %arg1, %mul3A : i32
    %add3A = arith.addi %mul3A_0, %arg0 : i32
    %c0_i32 = arith.constant 0 : i32
    %c0_i32_1 = arith.constant 0 : i32
    return %add3A, %c0_i32 : i32, i32
  }
}

</mosaic_0001>

<sc_bundles>
// kernel: kernel.6.cloned.1.call-start
scs
__scs_entry_jumppad:
0x0: {  	(pc) =	sbr.rel $0x88, $3  }
0x1: {  	(tag) =	ssettag $0x0;
	lr =	simm.s32 $0x1  }
0x2: {  	[smem:$0x3F9A] =	sst lr;
	_ =	strace $0xD0000000  }
0x3: {  	_ = 	snop  }
0x4: {  	_ = 	snop  }
0x5: {  	_ = 	snop  }
0x6: {  	_ = 	snop  }
0x7: {  	_ = 	snop  }
__scs_overlays_trampoline_lowered:
0x8: {  	[smem:$0x3FA9] =	sst s0  }
0x9: {  	[smem:$0x3FAA] =	sst s1  }
0xa: {  	[smem:$0x3FAB] =	sst s2  }
0xb: {  	[smem:$0x3FAC] =	sst s3  }
0xc: {  	[smem:$0x3FAD] =	sst s4  }
0xd: {  	[smem:$0x3FAE] =	sst s5  }
0xe: {  	[smem:$0x3FAF] =	sst s6  }
0xf: {  	[smem:$0x3FB0] =	sst s7  }
0x10: {  	[smem:$0x3FB1] =	sst s8  }
0x11: {  	[smem:$0x3FB2] =	sst s9;
	s0 =	simm.s32 @!p0 $0x0  }
0x12: {  	s1 =	sld [smem:$0x3F98];
	s0 =	simm.s32 @p0 $0x1  }
0x13: {  	[smem:$0x3FB3] =	sst s0;
	s0 =	simm.s32 @!p1 $0x0  }
0x14: {  	s2 =	sld [smem:$0x3F97];
	s0 =	simm.s32 @p1 $0x1  }
0x15: {  	[smem:$0x3FB4] =	sst s0;
	s0 =	simm.s32 @!p2 $0x0  }
0x16: {  	s3 =	sld [smem:$0x3FDB];
	s0 =	simm.s32 @p2 $0x1  }
0x17: {  	s4 =	simm.s32 $0x1BF5;
	[smem:$0x3FB6] =	sst s0  }
0x18: {  	s0 =	sld [smem:$0x3F99];
	_ =	swait.ge [sflag:s4], $0x0  }
0x19: {  	s7 =	sld [smem:$0x3F9A]  }
0x1a: {  	s8 =	sadd.s32 $0xFFFFE003, lr  }
0x1b: {  	s9 =	sadd.s32 $0xFFFFFEF7, lr;
	s5 =	simm.s32 $0xFFFFFFFF;
	p2 =	slt.u32 s8, $0xFFFFF086  }
0x1c: {  	p1 =	slt.u32 s9, $0xF7A;
	s5 =	simm.s32 @!p2 $0x0  }
0x1d: {  	s5 =	simm.s32 @p1 $0x1;
	p0 =	seq.s32 s7, s2  }
0x1e: {  	s7 =	smul.u32 @!p0 $0xF7A, s2;
	p2 =	seq.s32 @!p0 s5, $0x0  }
0x1f: {  	s9 =	smul.u32 $0xF7A, s1;
	s8 =	simm.s32 @!p0 $0x1BF5;
	p2 =	por !p2, p0  }
0x20: {  	[sflag:s8] =	ssyncset.s32 @!p0 $0xFFFFF086;
	s6 =	sadd.s32 @!p0 s3, s7;
	s7 =	simm.s32 @!p0 $0x108  }
0x21: {  	s3 =	sadd.s32 s3, s9;
	s6 =	sadd.s32 @!p0 $0x88, s6;
	s7 =	simm.s32 @p2 $0x1082  }
0x22: {  	[simem:s7], [sflag:s8] =	dma.local @!p0 [hbm:s6], $0xF7A  }
0x23: {  	s9 =	sor.u32 $0xD0000000, s2;
	s6 =	simm.s32 $0x108;
	_ =	swait.ge @!p0 [sflag:s8], $0x0  }
0x24: {  	s3 =	sadd.s32 $0x88, s3;
	s6 =	simm.s32 @!p1 $0x1082;
	[sflag:s4] =	ssyncset.s32 $0xFFFFF086  }
0x25: {  	[simem:s6], [sflag:s4] =	dma.local [hbm:s3], $0xF7A  }
0x26: {  	[smem:$0x3F9A] =	sst s1;
	(tag) =	ssettag s2;
	_ =	strace s9  }
0x27: {  	s1 =	sld [smem:$0x3FAA]  }
0x28: {  	s2 =	sld [smem:$0x3FAB]  }
0x29: {  	s4 =	sld [smem:$0x3FAD]  }
0x2a: {  	p0 =	seq.s32 s5, $0x0;
	s5 =	sld [smem:$0x3FAE]  }
0x2b: {  	s6 =	sld [smem:$0x3FAF]  }
0x2c: {  	s7 =	sld [smem:$0x3FB0]  }
0x2d: {  	s3 =	simm.s32 $0x108;
	s8 =	sld [smem:$0x3FB1]  }
0x2e: {  	s3 =	simm.s32 @!p0 $0x1082;
	s9 =	sld [smem:$0x3FB2]  }
0x2f: {  	lr =	sadd.s32 s0, s3;
	s0 =	sld [smem:$0x3FA9]  }
0x30: {  	s3 =	sld [smem:$0x3FAC]  }
0x31: {  	[smem:$0x3FB5] =	sst s10  }
0x32: {  	s10 =	sld [smem:$0x3FB3];
	_ =	sdelay $0x3  }
0x33: {  	p0 =	seq.s32 s10, $0x1;
	s10 =	sld [smem:$0x3FB5];
	_ =	sdelay $0x3  }
0x34: {  	[smem:$0x3FB5] =	sst s10  }
0x35: {  	s10 =	sld [smem:$0x3FB4];
	_ =	sdelay $0x3  }
0x36: {  	p1 =	seq.s32 s10, $0x1;
	s10 =	sld [smem:$0x3FB5];
	_ =	sdelay $0x3  }
0x37: {  	[smem:$0x3FB5] =	sst s10  }
0x38: {  	s10 =	sld [smem:$0x3FB6]  }
0x39: {  	_ = 	snop;
	(pc) =	sbr.ind lr, $3  }
0x3a: {  	_ = 	snop  }
0x3b: {  	_ = 	snop  }
0x3c: {  	p2 =	seq.s32 s10, $0x1;
	s10 =	sld [smem:$0x3FB5]  }
0x3d: {  	_ =	shalt  }
0x3e: {  	_ =	shalt  }
0x3f: {  	_ =	shalt  }
0x40: {  	_ =	shalt  }
0x41: {  	_ =	shalt  }
0x42: {  	_ =	shalt  }
0x43: {  	_ =	shalt  }
0x44: {  	_ =	shalt  }
0x45: {  	_ =	shalt  }
0x46: {  	_ =	shalt  }
0x47: {  	_ =	shalt  }
0x48: {  	_ =	shalt  }
0x49: {  	_ =	shalt  }
0x4a: {  	_ =	shalt  }
0x4b: {  	_ =	shalt  }
0x4c: {  	_ =	shalt  }
0x4d: {  	_ =	shalt  }
0x4e: {  	_ =	shalt  }
0x4f: {  	_ =	shalt  }
0x50: {  	_ =	shalt  }
0x51: {  	_ =	shalt  }
0x52: {  	_ =	shalt  }
0x53: {  	_ =	shalt  }
0x54: {  	_ =	shalt  }
0x55: {  	_ =	shalt  }
0x56: {  	_ =	shalt  }
0x57: {  	_ =	shalt  }
0x58: {  	_ =	shalt  }
0x59: {  	_ =	shalt  }
0x5a: {  	_ =	shalt  }
0x5b: {  	_ =	shalt  }
0x5c: {  	_ =	shalt  }
0x5d: {  	_ =	shalt  }
0x5e: {  	_ =	shalt  }
0x5f: {  	_ =	shalt  }
0x60: {  	_ =	shalt  }
0x61: {  	_ =	shalt  }
0x62: {  	_ =	shalt  }
0x63: {  	_ =	shalt  }
0x64: {  	_ =	shalt  }
0x65: {  	_ =	shalt  }
0x66: {  	_ =	shalt  }
0x67: {  	_ =	shalt  }
0x68: {  	_ =	shalt  }
0x69: {  	_ =	shalt  }
0x6a: {  	_ =	shalt  }
0x6b: {  	_ =	shalt  }
0x6c: {  	_ =	shalt  }
0x6d: {  	_ =	shalt  }
0x6e: {  	_ =	shalt  }
0x6f: {  	_ =	shalt  }
0x70: {  	_ =	shalt  }
0x71: {  	_ =	shalt  }
0x72: {  	_ =	shalt  }
0x73: {  	_ =	shalt  }
0x74: {  	_ =	shalt  }
0x75: {  	_ =	shalt  }
0x76: {  	_ =	shalt  }
0x77: {  	_ =	shalt  }
0x78: {  	_ =	shalt  }
0x79: {  	_ =	shalt  }
0x7a: {  	_ =	shalt  }
0x7b: {  	_ =	shalt  }
0x7c: {  	_ =	shalt  }
0x7d: {  	_ =	shalt  }
0x7e: {  	_ =	shalt  }
0x7f: {  	_ =	shalt  }
0x80: {  	_ =	shalt  }
0x81: {  	_ =	shalt  }
0x82: {  	_ =	shalt  }
0x83: {  	_ =	shalt  }
0x84: {  	_ =	shalt  }
0x85: {  	_ =	shalt  }
0x86: {  	_ =	shalt  }
0x87: {  	_ =	shalt  }
.Lfunc_end0:
.L_simem_size_0:
called_computation_lowered:
.L_overlay_start_0:
0x88: {  	s2 =	sld [smem:$0x3FD9]  }
0x89: {  	s3 =	sld [smem:$0x3FFE];
	_ =	sdelay $0x1  }
0x8a: {  	s1 =	srdreg.scid  }
0x8b: {  	s0 =	sand.u32 $0x1, s1  }
0x8c: {  	s17 =	sshll.u32 s0, $0xA;
	s2 =	sadd.s32 s3, s2  }
0x8d: {  	s2 =	sadd.s32 s2, s17  }
0x8e: {  	[smem:$0x3FC1] =	sst s2  }
0x8f: {  	_ = 	snop  }
0x90: {  	s4 =	sld [smem:$0x3FC7]  }
0x91: {  	s18 =	sld [smem:$0x3FD0];
	(tm) =	ssettm $0x1  }
0x92: {  	s19 =	sld [smem:$0x3FFB];
	_ =	sdelay $0x3  }
0x93: {  	_ =	strace s19  }
0x94: {  	s2 =	sld [smem:$0x3FFC];
	_ =	sdelay $0x3  }
0x95: {  	_ =	strace s2  }
0x96: {  	s2 =	sld [smem:$0x3FFD];
	_ =	sdelay $0x3  }
0x97: {  	_ =	strace s2  }
0x98: {  	_ =	strace $0x8FFFFFFF  }
0x99: {  	s20 =	sld [smem:$0x3FDB];
	_ =	sdelay $0x1  }
0x9a: {  	s5 =	simm.s32 $_scs_section_size  }
0x9b: {  	s6 =	simm.s32 $_size__tile_overlayer_lowered;
	s7 =	simm.s32 $_tile_overlayer_lowered  }
0x9c: {  	s8 =	simm.s32 $0x1BFF;
	s21 =	sshll.u32 s7, $0x1;
	s5 =	sadd.s32 s5, s20  }
0x9d: {  	s22 =	simm.s32 $0x0;
	s6 =	sshll.u32 s6, $0x1;
	s7 =	sadd.s32 s21, s5  }
0x9e: {  	[timem:s22], [sflag:s8] =	dma.local [hbm:s7], s6  }
0x9f: {  	_ =	swait.ge [sflag:s8], s6  }
0xa0: {  	s6 =	ssub.s32 $0x0, s6;
	[sflag:s8] =	ssyncset.done $0x0  }
0xa1: {  	[sflag:s8] =	ssyncadd.s32 s6;
	_ =	sdelay $0x1  }
0xa2: {  	s23 =	simm.s32 $0x1B8B  }
0xa3: {  	_ =	swait.ge [sflag:s23], $0x1  }
0xa4: {  	[sflag:s23] =	ssyncset.done $0x0  }
0xa5: {  	[sflag:s23] =	ssyncadd.s32 $0xFFFFFFFF  }
0xa6: {  	s6 =	sld [smem:$0x0]  }
0xa7: {  	s7 =	sand.u32 $0xFFFFFFFE, s1  }
0xa8: {  	p0 =	sne.s32 s1, s7  }
0xa9: {  	s7 =	sshll.u32 @p0 s7, $0xE  }
0xaa: {  	s7 =	sadd.s32 @p0 $0x11B8D, s7;
	s8 =	sshll.u32 @p0 s6, $0x11  }
0xab: {  	s7 =	sor.u32 @p0 s8, s7  }
0xac: {  	[sflag:s7] =	ssyncadd.remote.s32 @p0 $0x1;
	_ =	sdelay $0x1  }
0xad: {  	s7 =	simm.s32 @p0 $0x1B8D  }
0xae: {  	_ =	swait.eq @p0 [sflag:s7], $0x1  }
0xaf: {  	[sflag:s7] =	ssyncadd.s32 @p0 $0xFFFFFFFF  }
0xb0: {  	s8 =	sshll.u32 @!p0 s1, $0xE  }
0xb1: {  	s8 =	sor.u32 @!p0 $0x4000, s8;
	s7 =	simm.s32 @!p0 $0x1B8D  }
0xb2: {  	s6 =	sshll.u32 @!p0 s6, $0x11;
	s8 =	sadd.s32 @!p0 $0x11B8D, s8;
	_ =	swait.eq @!p0 [sflag:s7], $0x1  }
0xb3: {  	s6 =	sor.u32 @!p0 s6, s8;
	[sflag:s7] =	ssyncadd.s32 @!p0 $0xFFFFFFFF  }
0xb4: {  	s25 =	simm.s32 $0x1B8E;
	s24 =	sld [smem:$0x3FFE];
	[sflag:s6] =	ssyncadd.remote.s32 @!p0 $0x1  }
0xb5: {  	s26 =	simm.s32 $execute0_lowered;
	[smem:$0x3FD2] =	sst s25  }
0xb6: {  	s7 =	sshll.u32 s26, $0x1;
	_ =	strace $0x80000049;
	[dreg:$0x1] =	wrdreg $0xFFFFFFFF  }
0xb7: {  	s28 =	simm.s32 $_size_execute0_lowered;
	s5 =	sadd.s32 s5, s7;
	[dreg:$0x0] =	wrdreg $0x0  }
0xb8: {  	s7 =	sshll.u32 s28, $0x1;
	[dreg:$0x2] =	wrdreg s5  }
0xb9: {  	[dreg:$0x3] =	wrdreg s7  }
0xba: {  	[dreg:$0x4] =	wrdreg $0xC0  }
0xbb: {  	_ =	task [dreg:s22], $0x5FFFF  }
0xbc: {  	[dreg:$0x1] =	wrdreg $0xFFFFFFFF  }
0xbd: {  	[dreg:$0x0] =	wrdreg $0x60  }
0xbe: {  	[dreg:$0x2] =	wrdreg s4  }
0xbf: {  	[dreg:$0x3] =	wrdreg s24  }
0xc0: {  	[dreg:$0x4] =	wrdreg s18  }
0xc1: {  	[dreg:$0x5] =	wrdreg $0x9  }
0xc2: {  	_ =	task.clear_ibuf [dreg:s22], $0x6FFFF;
	_ =	strace $0x90000049  }
0xc3: {  	s29 =	simm.s32 $0x9;
	_ =	strace $0x8000004B  }
0xc4: {  	_ =	swait.ge [sflag:s29], $0x1  }
0xc5: {  	[sflag:s29] =	ssyncadd.s32 $0xFFFFFFFF  }
0xc6: {  	_ =	strace $0x9000004B  }
0xc7: {  	_ =	sfence  }
0xc8: {  	s30 =	sld [smem:$0x0];
	_ =	sdelay $0x2  }
0xc9: {  	s31 =	sshll.u32 s1, $0xD;
	s1 =	sshrl.u32 s1, $0x2  }
0xca: {  	s4 =	sand.u32 $0x4000, s31;
	s1 =	sadd.s32 s1, s30  }
0xcb: {  	s0 =	sor.u32 s4, s0;
	s1 =	sshll.u32 s1, $0x11  }
0xcc: {  	s0 =	sor.u32 s1, s0  }
0xcd: {  	s0 =	sadd.s32 $0x8F2B, s0  }
0xce: {  	[sflag:s0] =	ssyncadd.remote.s32 $0x1  }
0xcf: {  	_ =	sfence.sel $0xFFFF  }
0xd0: {  	[dreg:$0x0] =	wrdreg $0xFFFFFFFF;
	(pc) =	sbr.abs _section_cstart, $3  }
0xd1: {  	[dreg:$0x1] =	wrdreg $0xFFFFFFFF  }
0xd2: {  	_ =	task.clear_ibuf [dreg:s22], $0x2FFFF;
	_ =	strace $0x9FFFFFFF  }
0xd3: {  	(tm) =	ssettm $0x7FFFFFFF  }
tec
execute0_lowered:
.L_overlay_start_1:
0x0: {  	(tag) =	ssettag $0x1  }
0x1: {  	s2 =	srdreg.scid  }
0x2: {  	s1 =	rddreg [dreg:$0x0];
	s0 =	stileid.u32;
	s2 =	sand.u32 $0x1, s2  }
0x3: {  	s4 =	rddreg [dreg:$0x1];
	s3 =	sshll.u32 s0, $0x5;
	s5 =	sshll.u32 s2, $0x4  }
0x4: {  	s6 =	rddreg [dreg:$0x2];
	s5 =	sor.u32 s5, s3;
	s3 =	simm.s32 $0x0  }
0x5: {  	s15 =	simm.s32 $0x880;
	[smem:$0x7FF] =	sst s3  }
0x6: {  	s16 =	simm.s32 $0x1080;
	_ =	strace $0x8000004A;
	[dreg:$0x8] =	wrdreg s15  }
0x7: {  	s17 =	simm.s32 $0x1880;
	[dreg:$0x9] =	wrdreg s16  }
0x8: {  	s18 =	simm.s32 $0x2080;
	[dreg:$0xa] =	wrdreg s17  }
0x9: {  	s19 =	simm.s32 $0x2880;
	[dreg:$0xb] =	wrdreg s18  }
0xa: {  	s20 =	simm.s32 $0x3080;
	[dreg:$0xc] =	wrdreg s19  }
0xb: {  	s21 =	simm.s32 $0x3880;
	[dreg:$0xd] =	wrdreg s20  }
0xc: {  	s22 =	simm.s32 $0x4080;
	[dreg:$0xe] =	wrdreg s21  }
0xd: {  	s23 =	simm.s32 $0x4880;
	[dreg:$0xf] =	wrdreg s22  }
0xe: {  	s24 =	simm.s32 $0x5080;
	[dreg:$0x10] =	wrdreg s23  }
0xf: {  	s25 =	simm.s32 $0x5880;
	s26 =	simm.s32 $0x6880;
	[dreg:$0x11] =	wrdreg s24  }
0x10: {  	s9 =	simm.s32 $0x9080;
	s10 =	simm.s32 $0x9880;
	[dreg:$0x12] =	wrdreg s25  }
0x11: {  	s28 =	simm.s32 $0x4;
	s0 =	simm.s32 $0x7080;
	[dreg:$0x13] =	wrdreg s26  }
0x12: {  	s29 =	simm.s32 $0x5;
	s30 =	simm.s32 $0x6;
	[dreg:$0x14] =	wrdreg s0  }
0x13: {  	s7 =	smul.u32 $0x300, s5;
	s4 =	sadd.s32 s5, s4;
	[dreg:$0x18] =	wrdreg s9  }
0x14: {  	s8 =	smul.u32 $0x1800, s5;
	s5 =	sadd.s32 $0x61800, s4;
	[dreg:$0x19] =	wrdreg s10  }
0x15: {  	s31 =	simm.s32 $0x7;
	s15 =	simm.s32 $0xC880;
	[dreg:$0x4] =	wrdreg s5  }
0x16: {  	s2 =	ssub.s32 $0x2, s2;
	s16 =	simm.s32 $0xD080;
	[dreg:$0x1e] =	wrdreg s15  }
0x17: {  	s17 =	sshrl.u32 s2, $0x1;
	s18 =	simm.s32 $0xD880;
	[dreg:$0x1f] =	wrdreg s16  }
0x18: {  	s19 =	simm.s32 $0xE080;
	s20 =	simm.s32 $0xE880;
	[smem:$0x7F5] =	sst s18  }
0x19: {  	s21 =	simm.s32 $0xF080;
	s22 =	simm.s32 $0xF880;
	[smem:$0x7F6] =	sst s19  }
0x1a: {  	s23 =	simm.s32 $0x10080;
	s9 =	simm.s32 $0x80;
	[smem:$0x7F7] =	sst s20  }
0x1b: {  	s24 =	simm.s32 $0x10880;
	s10 =	simm.s32 $0x6080;
	[smem:$0x7F8] =	sst s21  }
0x1c: {  	s25 =	simm.s32 $0x11080;
	s26 =	simm.s32 $0x11880;
	[smem:$0x7F9] =	sst s22  }
0x1d: {  	s4 =	sadd.s32 s6, s7;
	s11 =	sshrl.u32 s8, $0x3;
	[smem:$0x7FA] =	sst s23  }
0x1e: {  	s7 =	simm.s32 $0x8080;
	s8 =	simm.s32 $0x8880;
	[smem:$0x7FB] =	sst s24  }
0x1f: {  	s2 =	ssub.s32 s2, s17;
	s5 =	sadd.s32 $0x100, s1;
	[smem:$0x7FC] =	sst s25  }
0x20: {  	[smem:$0x7FD] =	sst s26;
	s16 =	simm.s32 $0x13080;
	s17 =	simm.s32 $0x13880  }
0x21: {  	s18 =	simm.s32 $0x14080;
	s19 =	simm.s32 $0x14880;
	s20 =	simm.s32 $0x15080  }
0x22: {  	s21 =	simm.s32 $0x15880;
	s22 =	simm.s32 $0x16080;
	s23 =	simm.s32 $0x16880  }
0x23: {  	s24 =	simm.s32 $0x17080;
	s25 =	simm.s32 $0x17880;
	[dreg:$0x16] =	wrdreg s7  }
0x24: {  	s26 =	simm.s32 $0x3;
	s12 =	sadd.s32 $0xC00, s4;
	[dreg:$0x17] =	wrdreg s8  }
0x25: {  	s6 =	sadd.s32 s6, s11;
	s11 =	simm.s32 $0xA080;
	[dreg:$0x5] =	wrdreg s12  }
0x26: {  	s7 =	smax.u32 s2, $0x1;
	s13 =	sadd.s32 $0x1800, s6;
	[dreg:$0x1a] =	wrdreg s11  }
0x27: {  	s8 =	simm.s32 $0x9;
	s14 =	sadd.s32 $0x2400, s6;
	[dreg:$0x6] =	wrdreg s13  }
0x28: {  	s2 =	simm.s32 $0x8;
	s6 =	simm.s32 $0x7880;
	[dreg:$0x7] =	wrdreg s14  }
0x29: {  	s12 =	simm.s32 $0xA880;
	s11 =	simm.s32 $0x1;
	[dreg:$0x15] =	wrdreg s6  }
0x2a: {  	v2 =	vlaneseq.u32;
	[dreg:$0x1b] =	wrdreg s12;
	s13 =	simm.s32 $0xB080;
	s14 =	simm.s32 $0xB880  }
0x2b: {  	vm0 =	vmmov $0xffff;
	v1 =	vshrl.u32 v2, $0x3;
	s6 =	sadd.s32 $0x200, s1;
	s12 =	simm.s32 $0xC080;
	[dreg:$0x1c] =	wrdreg s13  }
0x2c: {  	v0 =	vand.u32 $0x7, v2;
	v2 =	vor.u32 $0x8, v2;
	v1 =	vmul.u32 $0x8, v1;
	[dreg:$0x1d] =	wrdreg s14;
	s13 =	simm.s32 $0x2;
	s14 =	simm.s32 $0x12080  }
.LBB2_1:
0x2d: {  	s0 =	rddreg [dreg:$0x4]  }
0x2e: {  	[tilespmem:s3], [sflag:$0x9] =	stream.linear.gather [hbm4b:s0+s3], $0x80, $0x38;
	[tilespmem:$0x18080] =	vst v63  }
0x2f: {  	_ =	swait.ge [sflag:s8], $0x80  }
0x30: {  	[sflag:s8] =	ssyncset.done $0x0  }
0x31: {  	[sflag:s8] =	ssyncadd.s32 $0xFFFFFF80  }
0x32: {  	v3 =	vld [tilespmem:$0x0];
	_ =	sdelay $0x4  }
0x33: {  	v4 =	vshrl.u32 v3, $0x3  }
0x34: {  	v4 =	vmul.u32 $0x30, v4  }
0x35: {  	v3 =	vand.u32 $0x7, v3  }
0x36: {  	v3 =	vor.u32 v3, v4  }
0x37: {  	v4 =	vperm.xlane v3, v0;
	_ =	sdelay $0x1  }
0x38: {  	v4 =	vadd.s32 v1, v4;
	_ =	sdelay $0x3  }
0x39: {  	v3 =	vperm.xlane v3, v2  }
0x3a: {  	[tilespmem:s9], [sflag:$0x1] =	stream.indirect_vreg.gather [hbm4b:s1+s3], $0x80, v4, vm0, $0xb8;
	[tilespmem:$0x18080] =	vst v63  }
0x3b: {  	s0 =	rddreg [dreg:$0x8];
	v3 =	vadd.s32 v1, v3  }
0x3c: {  	[tilespmem:s0], [sflag:$0x1] =	stream.indirect_vreg.gather [hbm4b:s5+s3], $0x80, v4, vm0, $0xb8;
	[tilespmem:$0x18080] =	vst v63  }
0x3d: {  	s15 =	rddreg [dreg:$0x9]  }
0x3e: {  	[tilespmem:s15], [sflag:$0x1] =	stream.indirect_vreg.gather [hbm4b:s6+s3], $0x80, v4, vm0, $0xb8;
	[tilespmem:$0x18080] =	vst v63  }
0x3f: {  	s0 =	rddreg [dreg:$0xa]  }
0x40: {  	[tilespmem:s0], [sflag:$0x1] =	stream.indirect_vreg.gather [hbm4b:s1+s3], $0x80, v3, vm0, $0xb8;
	[tilespmem:$0x18080] =	vst v63  }
0x41: {  	s15 =	rddreg [dreg:$0xb]  }
0x42: {  	[tilespmem:s15], [sflag:$0x1] =	stream.indirect_vreg.gather [hbm4b:s5+s3], $0x80, v3, vm0, $0xb8;
	[tilespmem:$0x18080] =	vst v63  }
0x43: {  	s0 =	rddreg [dreg:$0xc]  }
0x44: {  	[tilespmem:s0], [sflag:$0x1] =	stream.indirect_vreg.gather [hbm4b:s6+s3], $0x80, v3, vm0, $0xb8;
	[tilespmem:$0x18080] =	vst v63  }
0x45: {  	v3 =	vld [tilespmem:$0x10];
	_ =	sdelay $0x4  }
0x46: {  	v57 =	vshrl.u32 v3, $0x3  }
0x47: {  	v4 =	vmul.u32 $0x30, v57  }
0x48: {  	v3 =	vand.u32 $0x7, v3  }
0x49: {  	v3 =	vor.u32 v3, v4  }
0x4a: {  	v4 =	vperm.xlane v3, v0;
	_ =	sdelay $0x1  }
0x4b: {  	v4 =	vadd.s32 v1, v4;
	_ =	sdelay $0x3  }
0x4c: {  	s0 =	rddreg [dreg:$0xd];
	v3 =	vperm.xlane v3, v2  }
0x4d: {  	[tilespmem:s0], [sflag:$0x1] =	stream.indirect_vreg.gather [hbm4b:s1+s3], $0x80, v4, vm0, $0xb8;
	[tilespmem:$0x18080] =	vst v63  }
0x4e: {  	s15 =	rddreg [dreg:$0xe];
	v3 =	vadd.s32 v1, v3  }
0x4f: {  	[tilespmem:s15], [sflag:$0x1] =	stream.indirect_vreg.gather [hbm4b:s5+s3], $0x80, v4, vm0, $0xb8;
	[tilespmem:$0x18080] =	vst v63  }
0x50: {  	s0 =	rddreg [dreg:$0xf]  }
0x51: {  	[tilespmem:s0], [sflag:$0x1] =	stream.indirect_vreg.gather [hbm4b:s6+s3], $0x80, v4, vm0, $0xb8;
	[tilespmem:$0x18080] =	vst v63  }
0x52: {  	s15 =	rddreg [dreg:$0x10]  }
0x53: {  	[tilespmem:s15], [sflag:$0x1] =	stream.indirect_vreg.gather [hbm4b:s1+s3], $0x80, v3, vm0, $0xb8;
	[tilespmem:$0x18080] =	vst v63  }
0x54: {  	s0 =	rddreg [dreg:$0x11]  }
0x55: {  	[tilespmem:s0], [sflag:$0x1] =	stream.indirect_vreg.gather [hbm4b:s5+s3], $0x80, v3, vm0, $0xb8;
	[tilespmem:$0x18080] =	vst v63  }
0x56: {  	s15 =	rddreg [dreg:$0x12]  }
0x57: {  	[tilespmem:s15], [sflag:$0x1] =	stream.indirect_vreg.gather [hbm4b:s6+s3], $0x80, v3, vm0, $0xb8;
	[tilespmem:$0x18080] =	vst v63  }
0x58: {  	v3 =	vld [tilespmem:$0x20];
	_ =	sdelay $0x4  }
0x59: {  	v58 =	vshrl.u32 v3, $0x3  }
0x5a: {  	v4 =	vmul.u32 $0x30, v58  }
0x5b: {  	v3 =	vand.u32 $0x7, v3  }
0x5c: {  	v3 =	vor.u32 v3, v4  }
0x5d: {  	v4 =	vperm.xlane v3, v0;
	_ =	sdelay $0x1  }
0x5e: {  	v4 =	vadd.s32 v1, v4;
	_ =	sdelay $0x3  }
0x5f: {  	v3 =	vperm.xlane v3, v2  }
0x60: {  	[tilespmem:s10], [sflag:$0x2] =	stream.indirect_vreg.gather [hbm4b:s1+s3], $0x80, v4, vm0, $0xb8;
	[tilespmem:$0x18080] =	vst v63  }
0x61: {  	s0 =	rddreg [dreg:$0x13];
	v3 =	vadd.s32 v1, v3  }
0x62: {  	[tilespmem:s0], [sflag:$0x2] =	stream.indirect_vreg.gather [hbm4b:s5+s3], $0x80, v4, vm0, $0xb8;
	[tilespmem:$0x18080] =	vst v63  }
0x63: {  	s15 =	rddreg [dreg:$0x14]  }
0x64: {  	[tilespmem:s15], [sflag:$0x2] =	stream.indirect_vreg.gather [hbm4b:s6+s3], $0x80, v4, vm0, $0xb8;
	[tilespmem:$0x18080] =	vst v63  }
0x65: {  	s0 =	rddreg [dreg:$0x15]  }
0x66: {  	[tilespmem:s0], [sflag:$0x2] =	stream.indirect_vreg.gather [hbm4b:s1+s3], $0x80, v3, vm0, $0xb8;
	[tilespmem:$0x18080] =	vst v63  }
0x67: {  	s15 =	rddreg [dreg:$0x16]  }
0x68: {  	[tilespmem:s15], [sflag:$0x2] =	stream.indirect_vreg.gather [hbm4b:s5+s3], $0x80, v3, vm0, $0xb8;
	[tilespmem:$0x18080] =	vst v63  }
0x69: {  	s0 =	rddreg [dreg:$0x17]  }
0x6a: {  	[tilespmem:s0], [sflag:$0x2] =	stream.indirect_vreg.gather [hbm4b:s6+s3], $0x80, v3, vm0, $0xb8;
	[tilespmem:$0x18080] =	vst v63  }
0x6b: {  	v3 =	vld [tilespmem:$0x30];
	_ =	sdelay $0x4  }
0x6c: {  	v59 =	vshrl.u32 v3, $0x3  }
0x6d: {  	v4 =	vmul.u32 $0x30, v59  }
0x6e: {  	v3 =	vand.u32 $0x7, v3  }
0x6f: {  	v3 =	vor.u32 v3, v4  }
0x70: {  	v4 =	vperm.xlane v3, v0;
	_ =	sdelay $0x1  }
0x71: {  	v4 =	vadd.s32 v1, v4;
	_ =	sdelay $0x3  }
0x72: {  	s0 =	rddreg [dreg:$0x18];
	v3 =	vperm.xlane v3, v2  }
0x73: {  	[tilespmem:s0], [sflag:$0x2] =	stream.indirect_vreg.gather [hbm4b:s1+s3], $0x80, v4, vm0, $0xb8;
	[tilespmem:$0x18080] =	vst v63  }
0x74: {  	s15 =	rddreg [dreg:$0x19];
	v3 =	vadd.s32 v1, v3  }
0x75: {  	[tilespmem:s15], [sflag:$0x2] =	stream.indirect_vreg.gather [hbm4b:s5+s3], $0x80, v4, vm0, $0xb8;
	[tilespmem:$0x18080] =	vst v63  }
0x76: {  	s0 =	rddreg [dreg:$0x1a]  }
0x77: {  	[tilespmem:s0], [sflag:$0x2] =	stream.indirect_vreg.gather [hbm4b:s6+s3], $0x80, v4, vm0, $0xb8;
	[tilespmem:$0x18080] =	vst v63  }
0x78: {  	s15 =	rddreg [dreg:$0x1b]  }
0x79: {  	[tilespmem:s15], [sflag:$0x2] =	stream.indirect_vreg.gather [hbm4b:s1+s3], $0x80, v3, vm0, $0xb8;
	[tilespmem:$0x18080] =	vst v63  }
0x7a: {  	s0 =	rddreg [dreg:$0x1c]  }
0x7b: {  	[tilespmem:s0], [sflag:$0x2] =	stream.indirect_vreg.gather [hbm4b:s5+s3], $0x80, v3, vm0, $0xb8;
	[tilespmem:$0x18080] =	vst v63  }
0x7c: {  	s15 =	rddreg [dreg:$0x1d]  }
0x7d: {  	[tilespmem:s15], [sflag:$0x2] =	stream.indirect_vreg.gather [hbm4b:s6+s3], $0x80, v3, vm0, $0xb8;
	[tilespmem:$0x18080] =	vst v63  }
0x7e: {  	_ =	swait.ge [sflag:s11], $0x6000  }
0x7f: {  	[sflag:s11] =	ssyncset.done $0x0  }
0x80: {  	[sflag:s11] =	ssyncadd.s32 $0xFFFFA000  }
0x81: {  	[hbm4b:s4+s3] =	stream.linear.scatter [tilespmem:s9], [sflag:$0x5], $0x6000, $0x38;
	[tilespmem:$0x18080] =	vst v63  }
0x82: {  	v3 =	vld [tilespmem:$0x40];
	_ =	sdelay $0x4  }
0x83: {  	v60 =	vshrl.u32 v3, $0x3  }
0x84: {  	v4 =	vmul.u32 $0x30, v60  }
0x85: {  	v3 =	vand.u32 $0x7, v3  }
0x86: {  	v3 =	vor.u32 v3, v4  }
0x87: {  	v4 =	vperm.xlane v3, v0;
	_ =	sdelay $0x1  }
0x88: {  	v4 =	vadd.s32 v1, v4;
	_ =	sdelay $0x3  }
0x89: {  	s0 =	rddreg [dreg:$0x1e];
	v3 =	vperm.xlane v3, v2  }
0x8a: {  	[tilespmem:s12], [sflag:$0x3] =	stream.indirect_vreg.gather [hbm4b:s1+s3], $0x80, v4, vm0, $0xb8;
	[tilespmem:$0x18080] =	vst v63  }
0x8b: {  	s15 =	rddreg [dreg:$0x1f];
	v3 =	vadd.s32 v1, v3  }
0x8c: {  	[tilespmem:s0], [sflag:$0x3] =	stream.indirect_vreg.gather [hbm4b:s5+s3], $0x80, v4, vm0, $0xb8;
	[tilespmem:$0x18080] =	vst v63  }
0x8d: {  	s0 =	sld [smem:$0x7F5]  }
0x8e: {  	[tilespmem:s15], [sflag:$0x3] =	stream.indirect_vreg.gather [hbm4b:s6+s3], $0x80, v4, vm0, $0xb8;
	[tilespmem:$0x18080] =	vst v63  }
0x8f: {  	s15 =	sld [smem:$0x7F6]  }
0x90: {  	[tilespmem:s0], [sflag:$0x3] =	stream.indirect_vreg.gather [hbm4b:s1+s3], $0x80, v3, vm0, $0xb8;
	[tilespmem:$0x18080] =	vst v63  }
0x91: {  	s0 =	sld [smem:$0x7F7]  }
0x92: {  	[tilespmem:s15], [sflag:$0x3] =	stream.indirect_vreg.gather [hbm4b:s5+s3], $0x80, v3, vm0, $0xb8;
	[tilespmem:$0x18080] =	vst v63  }
0x93: {  	_ = 	snop  }
0x94: {  	[tilespmem:s0], [sflag:$0x3] =	stream.indirect_vreg.gather [hbm4b:s6+s3], $0x80, v3, vm0, $0xb8;
	[tilespmem:$0x18080] =	vst v63  }
0x95: {  	v3 =	vld [tilespmem:$0x50];
	_ =	sdelay $0x4  }
0x96: {  	v61 =	vshrl.u32 v3, $0x3  }
0x97: {  	v4 =	vmul.u32 $0x30, v61  }
0x98: {  	v3 =	vand.u32 $0x7, v3  }
0x99: {  	v3 =	vor.u32 v3, v4  }
0x9a: {  	v4 =	vperm.xlane v3, v0;
	_ =	sdelay $0x1  }
0x9b: {  	v4 =	vadd.s32 v1, v4;
	_ =	sdelay $0x1  }
0x9c: {  	s0 =	sld [smem:$0x7F8];
	_ =	sdelay $0x1  }
0x9d: {  	s15 =	sld [smem:$0x7F9];
	v3 =	vperm.xlane v3, v2  }
0x9e: {  	[tilespmem:s0], [sflag:$0x3] =	stream.indirect_vreg.gather [hbm4b:s1+s3], $0x80, v4, vm0, $0xb8;
	[tilespmem:$0x18080] =	vst v63  }
0x9f: {  	v3 =	vadd.s32 v1, v3;
	s0 =	sld [smem:$0x7FA]  }
0xa0: {  	[tilespmem:s15], [sflag:$0x3] =	stream.indirect_vreg.gather [hbm4b:s5+s3], $0x80, v4, vm0, $0xb8;
	[tilespmem:$0x18080] =	vst v63  }
0xa1: {  	s15 =	sld [smem:$0x7FB]  }
0xa2: {  	[tilespmem:s0], [sflag:$0x3] =	stream.indirect_vreg.gather [hbm4b:s6+s3], $0x80, v4, vm0, $0xb8;
	[tilespmem:$0x18080] =	vst v63  }
0xa3: {  	s0 =	sld [smem:$0x7FC]  }
0xa4: {  	[tilespmem:s15], [sflag:$0x3] =	stream.indirect_vreg.gather [hbm4b:s1+s3], $0x80, v3, vm0, $0xb8;
	[tilespmem:$0x18080] =	vst v63  }
0xa5: {  	s15 =	sld [smem:$0x7FD]  }
0xa6: {  	[tilespmem:s0], [sflag:$0x3] =	stream.indirect_vreg.gather [hbm4b:s5+s3], $0x80, v3, vm0, $0xb8;
	[tilespmem:$0x18080] =	vst v63  }
0xa7: {  	_ = 	snop  }
0xa8: {  	[tilespmem:s15], [sflag:$0x3] =	stream.indirect_vreg.gather [hbm4b:s6+s3], $0x80, v3, vm0, $0xb8;
	[tilespmem:$0x18080] =	vst v63  }
0xa9: {  	_ =	swait.ge [sflag:s13], $0x6000  }
0xaa: {  	[sflag:s13] =	ssyncset.done $0x0  }
0xab: {  	s15 =	rddreg [dreg:$0x5];
	[sflag:s13] =	ssyncadd.s32 $0xFFFFA000  }
0xac: {  	[hbm4b:s15+s3] =	stream.linear.scatter [tilespmem:s10], [sflag:$0x6], $0x6000, $0x38;
	[tilespmem:$0x18080] =	vst v63  }
0xad: {  	v3 =	vld [tilespmem:$0x60];
	_ =	sdelay $0x4  }
0xae: {  	v62 =	vshrl.u32 v3, $0x3  }
0xaf: {  	v4 =	vmul.u32 $0x30, v62  }
0xb0: {  	v3 =	vand.u32 $0x7, v3  }
0xb1: {  	v3 =	vor.u32 v3, v4  }
0xb2: {  	v4 =	vperm.xlane v3, v0;
	_ =	sdelay $0x1  }
0xb3: {  	v4 =	vadd.s32 v1, v4;
	_ =	sdelay $0x3  }
0xb4: {  	v3 =	vperm.xlane v3, v2  }
0xb5: {  	[tilespmem:s14], [sflag:$0x4] =	stream.indirect_vreg.gather [hbm4b:s1+s3], $0x80, v4, vm0, $0xb8;
	[tilespmem:$0x18080] =	vst v63  }
0xb6: {  	s15 =	simm.s32 $0x12880;
	v3 =	vadd.s32 v1, v3  }
0xb7: {  	[tilespmem:s15], [sflag:$0x4] =	stream.indirect_vreg.gather [hbm4b:s5+s3], $0x80, v4, vm0, $0xb8;
	[tilespmem:$0x18080] =	vst v63  }
0xb8: {  	_ = 	snop  }
0xb9: {  	[tilespmem:s16], [sflag:$0x4] =	stream.indirect_vreg.gather [hbm4b:s6+s3], $0x80, v4, vm0, $0xb8;
	[tilespmem:$0x18080] =	vst v63  }
0xba: {  	_ = 	snop  }
0xbb: {  	[tilespmem:s17], [sflag:$0x4] =	stream.indirect_vreg.gather [hbm4b:s1+s3], $0x80, v3, vm0, $0xb8;
	[tilespmem:$0x18080] =	vst v63  }
0xbc: {  	_ = 	snop  }
0xbd: {  	[tilespmem:s18], [sflag:$0x4] =	stream.indirect_vreg.gather [hbm4b:s5+s3], $0x80, v3, vm0, $0xb8;
	[tilespmem:$0x18080] =	vst v63  }
0xbe: {  	_ = 	snop  }
0xbf: {  	[tilespmem:s19], [sflag:$0x4] =	stream.indirect_vreg.gather [hbm4b:s6+s3], $0x80, v3, vm0, $0xb8;
	[tilespmem:$0x18080] =	vst v63  }
0xc0: {  	v3 =	vld [tilespmem:$0x70];
	_ =	sdelay $0x4  }
0xc1: {  	v63 =	vshrl.u32 v3, $0x3  }
0xc2: {  	v4 =	vmul.u32 $0x30, v63  }
0xc3: {  	v3 =	vand.u32 $0x7, v3  }
0xc4: {  	v3 =	vor.u32 v3, v4  }
0xc5: {  	v4 =	vperm.xlane v3, v0;
	_ =	sdelay $0x1  }
0xc6: {  	v4 =	vadd.s32 v1, v4;
	_ =	sdelay $0x3  }
0xc7: {  	v3 =	vperm.xlane v3, v2  }
0xc8: {  	[tilespmem:s20], [sflag:$0x4] =	stream.indirect_vreg.gather [hbm4b:s1+s3], $0x80, v4, vm0, $0xb8;
	[tilespmem:$0x18080] =	vst v63  }
0xc9: {  	v3 =	vadd.s32 v1, v3  }
0xca: {  	[tilespmem:s21], [sflag:$0x4] =	stream.indirect_vreg.gather [hbm4b:s5+s3], $0x80, v4, vm0, $0xb8;
	[tilespmem:$0x18080] =	vst v63  }
0xcb: {  	_ = 	snop  }
0xcc: {  	[tilespmem:s22], [sflag:$0x4] =	stream.indirect_vreg.gather [hbm4b:s6+s3], $0x80, v4, vm0, $0xb8;
	[tilespmem:$0x18080] =	vst v63  }
0xcd: {  	_ = 	snop  }
0xce: {  	[tilespmem:s23], [sflag:$0x4] =	stream.indirect_vreg.gather [hbm4b:s1+s3], $0x80, v3, vm0, $0xb8;
	[tilespmem:$0x18080] =	vst v63  }
0xcf: {  	_ = 	snop  }
0xd0: {  	[tilespmem:s24], [sflag:$0x4] =	stream.indirect_vreg.gather [hbm4b:s5+s3], $0x80, v3, vm0, $0xb8;
	[tilespmem:$0x18080] =	vst v63  }
0xd1: {  	_ = 	snop  }
0xd2: {  	[tilespmem:s25], [sflag:$0x4] =	stream.indirect_vreg.gather [hbm4b:s6+s3], $0x80, v3, vm0, $0xb8;
	[tilespmem:$0x18080] =	vst v63  }
0xd3: {  	_ =	swait.ge [sflag:s26], $0x6000  }
0xd4: {  	[sflag:s26] =	ssyncset.done $0x0  }
0xd5: {  	s15 =	rddreg [dreg:$0x6];
	[sflag:s26] =	ssyncadd.s32 $0xFFFFA000  }
0xd6: {  	[hbm4b:s15+s3] =	stream.linear.scatter [tilespmem:s12], [sflag:$0x7], $0x6000, $0x38;
	[tilespmem:$0x18080] =	vst v63  }
0xd7: {  	_ =	swait.ge [sflag:s28], $0x6000  }
0xd8: {  	[sflag:s28] =	ssyncset.done $0x0  }
0xd9: {  	s15 =	rddreg [dreg:$0x7];
	[sflag:s28] =	ssyncadd.s32 $0xFFFFA000  }
0xda: {  	[hbm4b:s15+s3] =	stream.linear.scatter [tilespmem:s14], [sflag:$0x8], $0x6000, $0x38;
	[tilespmem:$0x18080] =	vst v63  }
0xdb: {  	_ =	swait.ge [sflag:s29], $0x6000  }
0xdc: {  	[sflag:s29] =	ssyncset.done $0x0  }
0xdd: {  	[sflag:s29] =	ssyncadd.s32 $0xFFFFA000  }
0xde: {  	_ =	swait.ge [sflag:s30], $0x6000  }
0xdf: {  	[sflag:s30] =	ssyncset.done $0x0  }
0xe0: {  	[sflag:s30] =	ssyncadd.s32 $0xFFFFA000  }
0xe1: {  	p0 =	sne.s32 s7, $0x1;
	_ =	swait.ge [sflag:s31], $0x6000  }
.Ltmp0:
0xe2: {  	[sflag:s31] =	ssyncset.done $0x0;
	(pc) =	sbr.rel @p0 .LBB2_1-.Ltmp0, $4  }
0xe3: {  	[sflag:s31] =	ssyncadd.s32 $0xFFFFA000  }
0xe4: {  	_ =	swait.ge [sflag:s2], $0x6000  }
0xe5: {  	[sflag:s2] =	ssyncset.done $0x0  }
0xe6: {  	s7 =	sadd.s32 $0xFFFFFFFF, s7;
	[sflag:s2] =	ssyncadd.s32 $0xFFFFA000  }
0xe7: {  	_ =	sfence.sel $0x180000  }
0xe8: {  	[bflag:$0x0] =	sbarrier.arrive $0xFFFF  }
0xe9: {  	_ =	strace $0x9000004A  }
0xea: {  	s0 =	stileid.u32;
	[bflag:$0x2] =	sbarrier.arrive $0xFFFF  }
0xeb: {  	p0 =	sne.s32 s0, $0x0;
	s0 =	rddreg [dreg:$0x3]  }
0xec: {  	s0 =	sadd.s32 @!p0 $0x100000, s0  }
0xed: {  	[sflag:s0] =	ssyncadd.tile.s32 @!p0 $0x1;
	_ =	shalt  }
.Lfunc_end2:
_tile_overlayer_lowered:
.L_overlay_start_2:
0xee: {  	(tag) =	ssettag $0x2  }
0xef: {  	s0 =	rddreg [dreg:$0x0];
	s2 =	stileid.u32  }
0xf0: {  	s1 =	rddreg [dreg:$0x1];
	p0 =	sne.s32 s2, $0x0  }
0xf1: {  	s3 =	rddreg [dreg:$0x2];
	[bflag:$0x3] =	sbarrier.arrive $0xFFFF;
	s2 =	simm.s32 @!p0 $0x1C09  }
0xf2: {  	[timem:s3], [sflag:s2] =	dma.local @!p0 [hbm:s0], s1  }
0xf3: {  	s0 =	simm.s32 @!p0 $0x9  }
0xf4: {  	_ =	swait.ge @!p0 [sflag:s0], s1  }
0xf5: {  	s1 =	ssub.s32 @!p0 $0x0, s1;
	[sflag:s0] =	ssyncset.done @!p0 $0x0  }
0xf6: {  	[sflag:s0] =	ssyncadd.s32 @!p0 s1  }
0xf7: {  	[bflag:$0x3] =	sbarrier.arrive $0xFFFF  }
0xf8: {  	_ =	shalt  }

// kernel: kernel.9.cloned.1.call-start
scs
__scs_entry_jumppad:
0x0: {  	(pc) =	sbr.rel $0x88, $3  }
0x1: {  	(tag) =	ssettag $0x0;
	lr =	simm.s32 $0x1  }
0x2: {  	[smem:$0x3F9A] =	sst lr;
	_ =	strace $0xD0000000  }
0x3: {  	_ = 	snop  }
0x4: {  	_ = 	snop  }
0x5: {  	_ = 	snop  }
0x6: {  	_ = 	snop  }
0x7: {  	_ = 	snop  }
__scs_overlays_trampoline_lowered:
0x8: {  	[smem:$0x3FA9] =	sst s0  }
0x9: {  	[smem:$0x3FAA] =	sst s1  }
0xa: {  	[smem:$0x3FAB] =	sst s2  }
0xb: {  	[smem:$0x3FAC] =	sst s3  }
0xc: {  	[smem:$0x3FAD] =	sst s4  }
0xd: {  	[smem:$0x3FAE] =	sst s5  }
0xe: {  	[smem:$0x3FAF] =	sst s6  }
0xf: {  	[smem:$0x3FB0] =	sst s7  }
0x10: {  	[smem:$0x3FB1] =	sst s8  }
0x11: {  	[smem:$0x3FB2] =	sst s9;
	s0 =	simm.s32 @!p0 $0x0  }
0x12: {  	s1 =	sld [smem:$0x3F98];
	s0 =	simm.s32 @p0 $0x1  }
0x13: {  	[smem:$0x3FB3] =	sst s0;
	s0 =	simm.s32 @!p1 $0x0  }
0x14: {  	s2 =	sld [smem:$0x3F97];
	s0 =	simm.s32 @p1 $0x1  }
0x15: {  	[smem:$0x3FB4] =	sst s0;
	s0 =	simm.s32 @!p2 $0x0  }
0x16: {  	s3 =	sld [smem:$0x3FDB];
	s0 =	simm.s32 @p2 $0x1  }
0x17: {  	s4 =	simm.s32 $0x1BF5;
	[smem:$0x3FB6] =	sst s0  }
0x18: {  	s0 =	sld [smem:$0x3F99];
	_ =	swait.ge [sflag:s4], $0x0  }
0x19: {  	s7 =	sld [smem:$0x3F9A]  }
0x1a: {  	s8 =	sadd.s32 $0xFFFFE003, lr  }
0x1b: {  	s9 =	sadd.s32 $0xFFFFFEF7, lr;
	s5 =	simm.s32 $0xFFFFFFFF;
	p2 =	slt.u32 s8, $0xFFFFF086  }
0x1c: {  	p1 =	slt.u32 s9, $0xF7A;
	s5 =	simm.s32 @!p2 $0x0  }
0x1d: {  	s5 =	simm.s32 @p1 $0x1;
	p0 =	seq.s32 s7, s2  }
0x1e: {  	s7 =	smul.u32 @!p0 $0xF7A, s2;
	p2 =	seq.s32 @!p0 s5, $0x0  }
0x1f: {  	s9 =	smul.u32 $0xF7A, s1;
	s8 =	simm.s32 @!p0 $0x1BF5;
	p2 =	por !p2, p0  }
0x20: {  	[sflag:s8] =	ssyncset.s32 @!p0 $0xFFFFF086;
	s6 =	sadd.s32 @!p0 s3, s7;
	s7 =	simm.s32 @!p0 $0x108  }
0x21: {  	s3 =	sadd.s32 s3, s9;
	s6 =	sadd.s32 @!p0 $0x88, s6;
	s7 =	simm.s32 @p2 $0x1082  }
0x22: {  	[simem:s7], [sflag:s8] =	dma.local @!p0 [hbm:s6], $0xF7A  }
0x23: {  	s9 =	sor.u32 $0xD0000000, s2;
	s6 =	simm.s32 $0x108;
	_ =	swait.ge @!p0 [sflag:s8], $0x0  }
0x24: {  	s3 =	sadd.s32 $0x88, s3;
	s6 =	simm.s32 @!p1 $0x1082;
	[sflag:s4] =	ssyncset.s32 $0xFFFFF086  }
0x25: {  	[simem:s6], [sflag:s4] =	dma.local [hbm:s3], $0xF7A  }
0x26: {  	[smem:$0x3F9A] =	sst s1;
	(tag) =	ssettag s2;
	_ =	strace s9  }
0x27: {  	s1 =	sld [smem:$0x3FAA]  }
0x28: {  	s2 =	sld [smem:$0x3FAB]  }
0x29: {  	s4 =	sld [smem:$0x3FAD]  }
0x2a: {  	p0 =	seq.s32 s5, $0x0;
	s5 =	sld [smem:$0x3FAE]  }
0x2b: {  	s6 =	sld [smem:$0x3FAF]  }
0x2c: {  	s7 =	sld [smem:$0x3FB0]  }
0x2d: {  	s3 =	simm.s32 $0x108;
	s8 =	sld [smem:$0x3FB1]  }
0x2e: {  	s3 =	simm.s32 @!p0 $0x1082;
	s9 =	sld [smem:$0x3FB2]  }
0x2f: {  	lr =	sadd.s32 s0, s3;
	s0 =	sld [smem:$0x3FA9]  }
0x30: {  	s3 =	sld [smem:$0x3FAC]  }
0x31: {  	[smem:$0x3FB5] =	sst s10  }
0x32: {  	s10 =	sld [smem:$0x3FB3];
	_ =	sdelay $0x3  }
0x33: {  	p0 =	seq.s32 s10, $0x1;
	s10 =	sld [smem:$0x3FB5];
	_ =	sdelay $0x3  }
0x34: {  	[smem:$0x3FB5] =	sst s10  }
0x35: {  	s10 =	sld [smem:$0x3FB4];
	_ =	sdelay $0x3  }
0x36: {  	p1 =	seq.s32 s10, $0x1;
	s10 =	sld [smem:$0x3FB5];
	_ =	sdelay $0x3  }
0x37: {  	[smem:$0x3FB5] =	sst s10  }
0x38: {  	s10 =	sld [smem:$0x3FB6]  }
0x39: {  	_ = 	snop;
	(pc) =	sbr.ind lr, $3  }
0x3a: {  	_ = 	snop  }
0x3b: {  	_ = 	snop  }
0x3c: {  	p2 =	seq.s32 s10, $0x1;
	s10 =	sld [smem:$0x3FB5]  }
0x3d: {  	_ =	shalt  }
0x3e: {  	_ =	shalt  }
0x3f: {  	_ =	shalt  }
0x40: {  	_ =	shalt  }
0x41: {  	_ =	shalt  }
0x42: {  	_ =	shalt  }
0x43: {  	_ =	shalt  }
0x44: {  	_ =	shalt  }
0x45: {  	_ =	shalt  }
0x46: {  	_ =	shalt  }
0x47: {  	_ =	shalt  }
0x48: {  	_ =	shalt  }
0x49: {  	_ =	shalt  }
0x4a: {  	_ =	shalt  }
0x4b: {  	_ =	shalt  }
0x4c: {  	_ =	shalt  }
0x4d: {  	_ =	shalt  }
0x4e: {  	_ =	shalt  }
0x4f: {  	_ =	shalt  }
0x50: {  	_ =	shalt  }
0x51: {  	_ =	shalt  }
0x52: {  	_ =	shalt  }
0x53: {  	_ =	shalt  }
0x54: {  	_ =	shalt  }
0x55: {  	_ =	shalt  }
0x56: {  	_ =	shalt  }
0x57: {  	_ =	shalt  }
0x58: {  	_ =	shalt  }
0x59: {  	_ =	shalt  }
0x5a: {  	_ =	shalt  }
0x5b: {  	_ =	shalt  }
0x5c: {  	_ =	shalt  }
0x5d: {  	_ =	shalt  }
0x5e: {  	_ =	shalt  }
0x5f: {  	_ =	shalt  }
0x60: {  	_ =	shalt  }
0x61: {  	_ =	shalt  }
0x62: {  	_ =	shalt  }
0x63: {  	_ =	shalt  }
0x64: {  	_ =	shalt  }
0x65: {  	_ =	shalt  }
0x66: {  	_ =	shalt  }
0x67: {  	_ =	shalt  }
0x68: {  	_ =	shalt  }
0x69: {  	_ =	shalt  }
0x6a: {  	_ =	shalt  }
0x6b: {  	_ =	shalt  }
0x6c: {  	_ =	shalt  }
0x6d: {  	_ =	shalt  }
0x6e: {  	_ =	shalt  }
0x6f: {  	_ =	shalt  }
0x70: {  	_ =	shalt  }
0x71: {  	_ =	shalt  }
0x72: {  	_ =	shalt  }
0x73: {  	_ =	shalt  }
0x74: {  	_ =	shalt  }
0x75: {  	_ =	shalt  }
0x76: {  	_ =	shalt  }
0x77: {  	_ =	shalt  }
0x78: {  	_ =	shalt  }
0x79: {  	_ =	shalt  }
0x7a: {  	_ =	shalt  }
0x7b: {  	_ =	shalt  }
0x7c: {  	_ =	shalt  }
0x7d: {  	_ =	shalt  }
0x7e: {  	_ =	shalt  }
0x7f: {  	_ =	shalt  }
0x80: {  	_ =	shalt  }
0x81: {  	_ =	shalt  }
0x82: {  	_ =	shalt  }
0x83: {  	_ =	shalt  }
0x84: {  	_ =	shalt  }
0x85: {  	_ =	shalt  }
0x86: {  	_ =	shalt  }
0x87: {  	_ =	shalt  }
.Lfunc_end0:
.L_simem_size_0:
called_computation.1_lowered:
.L_overlay_start_0:
0x88: {  	s2 =	sld [smem:$0x3FD9]  }
0x89: {  	s3 =	sld [smem:$0x3FFE];
	_ =	sdelay $0x1  }
0x8a: {  	s1 =	srdreg.scid  }
0x8b: {  	s0 =	sand.u32 $0x1, s1  }
0x8c: {  	s17 =	sshll.u32 s0, $0xA;
	s2 =	sadd.s32 s3, s2  }
0x8d: {  	s2 =	sadd.s32 s2, s17  }
0x8e: {  	[smem:$0x3FC1] =	sst s2  }
0x8f: {  	_ = 	snop  }
0x90: {  	s2 =	sld [smem:$0x3FC7];
	(tm) =	ssettm $0x1  }
0x91: {  	s18 =	sld [smem:$0x3FFB];
	_ =	sdelay $0x3  }
0x92: {  	_ =	strace s18  }
0x93: {  	s3 =	sld [smem:$0x3FFC];
	_ =	sdelay $0x3  }
0x94: {  	_ =	strace s3  }
0x95: {  	s3 =	sld [smem:$0x3FFD];
	_ =	sdelay $0x3  }
0x96: {  	_ =	strace s3  }
0x97: {  	_ =	strace $0x8FFFFFFF  }
0x98: {  	s19 =	sld [smem:$0x3FDB];
	_ =	sdelay $0x1  }
0x99: {  	s4 =	simm.s32 $_scs_section_size  }
0x9a: {  	s5 =	simm.s32 $_size__tile_overlayer_lowered;
	s6 =	simm.s32 $_tile_overlayer_lowered  }
0x9b: {  	s22 =	simm.s32 $0x1BFF;
	s21 =	sshll.u32 s6, $0x1;
	s3 =	sadd.s32 s4, s19  }
0x9c: {  	s7 =	simm.s32 $0x0;
	s20 =	sshll.u32 s5, $0x1;
	s5 =	sadd.s32 s21, s3  }
0x9d: {  	[timem:s7], [sflag:s22] =	dma.local [hbm:s5], s20  }
0x9e: {  	_ =	swait.ge [sflag:s22], s20  }
0x9f: {  	s4 =	ssub.s32 $0x0, s20;
	[sflag:s22] =	ssyncset.done $0x0  }
0xa0: {  	[sflag:s22] =	ssyncadd.s32 s4;
	_ =	sdelay $0x1  }
0xa1: {  	s23 =	simm.s32 $0x1B8B  }
0xa2: {  	_ =	swait.ge [sflag:s23], $0x1  }
0xa3: {  	[sflag:s23] =	ssyncset.done $0x0  }
0xa4: {  	s25 =	simm.s32 $0x1B8E;
	s24 =	sld [smem:$0x3FFE];
	[sflag:s23] =	ssyncadd.s32 $0xFFFFFFFF  }
0xa5: {  	s26 =	simm.s32 $execute0_lowered;
	[smem:$0x3FD2] =	sst s25  }
0xa6: {  	s5 =	sshll.u32 s26, $0x1;
	_ =	strace $0x80000046;
	[dreg:$0x1] =	wrdreg $0xFFFFFFFF  }
0xa7: {  	s28 =	simm.s32 $_size_execute0_lowered;
	s3 =	sadd.s32 s3, s5;
	[dreg:$0x0] =	wrdreg $0x0  }
0xa8: {  	s5 =	sshll.u32 s28, $0x1;
	[dreg:$0x2] =	wrdreg s3  }
0xa9: {  	[dreg:$0x3] =	wrdreg s5  }
0xaa: {  	[dreg:$0x4] =	wrdreg $0xC0  }
0xab: {  	_ =	task [dreg:s7], $0x5FFFF  }
0xac: {  	[dreg:$0x1] =	wrdreg $0xFFFFFFFF  }
0xad: {  	[dreg:$0x0] =	wrdreg $0x60  }
0xae: {  	[dreg:$0x2] =	wrdreg s2  }
0xaf: {  	[dreg:$0x3] =	wrdreg s24  }
0xb0: {  	[dreg:$0x4] =	wrdreg $0xA  }
0xb1: {  	_ =	task.clear_ibuf [dreg:s7], $0x5FFFF;
	_ =	strace $0x90000046  }
0xb2: {  	s29 =	simm.s32 $0xA;
	_ =	strace $0x80000048  }
0xb3: {  	_ =	swait.ge [sflag:s29], $0x1  }
0xb4: {  	[sflag:s29] =	ssyncadd.s32 $0xFFFFFFFF  }
0xb5: {  	_ =	strace $0x90000048  }
0xb6: {  	_ =	sfence  }
0xb7: {  	s30 =	sld [smem:$0x0];
	_ =	sdelay $0x2  }
0xb8: {  	s31 =	sshll.u32 s1, $0xD;
	s1 =	sshrl.u32 s1, $0x2  }
0xb9: {  	s3 =	sand.u32 $0x4000, s31;
	s1 =	sadd.s32 s1, s30  }
0xba: {  	s0 =	sor.u32 s3, s0;
	s1 =	sshll.u32 s1, $0x11  }
0xbb: {  	s0 =	sor.u32 s1, s0  }
0xbc: {  	s0 =	sadd.s32 $0x8F2B, s0  }
0xbd: {  	[sflag:s0] =	ssyncadd.remote.s32 $0x1  }
0xbe: {  	_ =	sfence.sel $0xFFFF  }
0xbf: {  	[dreg:$0x0] =	wrdreg $0xFFFFFFFF;
	(pc) =	sbr.abs _section_cstart, $3  }
0xc0: {  	[dreg:$0x1] =	wrdreg $0xFFFFFFFF  }
0xc1: {  	_ =	task.clear_ibuf [dreg:s7], $0x2FFFF;
	_ =	strace $0x9FFFFFFF  }
0xc2: {  	(tm) =	ssettm $0x7FFFFFFF  }
0xc3: {  	_ =	shalt  }
tec
execute0_lowered:
.L_overlay_start_1:
0x0: {  	(tag) =	ssettag $0x1  }
0x1: {  	s1 =	srdreg.scid  }
0x2: {  	s0 =	stileid.u32;
	s1 =	sand.u32 $0x1, s1  }
0x3: {  	s2 =	rddreg [dreg:$0x0];
	s3 =	sshll.u32 s0, $0x5;
	s4 =	sshll.u32 s1, $0x4  }
0x4: {  	s5 =	rddreg [dreg:$0x1];
	s4 =	sor.u32 s4, s3;
	s3 =	simm.s32 $0x0  }
0x5: {  	s15 =	simm.s32 $0x880;
	[smem:$0x7FF] =	sst s3  }
0x6: {  	s16 =	simm.s32 $0x1080;
	_ =	strace $0x80000047;
	[dreg:$0x7] =	wrdreg s15  }
0x7: {  	s17 =	simm.s32 $0x1880;
	[dreg:$0x8] =	wrdreg s16  }
0x8: {  	s18 =	simm.s32 $0x2080;
	[dreg:$0x9] =	wrdreg s17  }
0x9: {  	s19 =	simm.s32 $0x2880;
	[dreg:$0xa] =	wrdreg s18  }
0xa: {  	s20 =	simm.s32 $0x3080;
	[dreg:$0xb] =	wrdreg s19  }
0xb: {  	s21 =	simm.s32 $0x3880;
	[dreg:$0xc] =	wrdreg s20  }
0xc: {  	s22 =	simm.s32 $0x4080;
	[dreg:$0xd] =	wrdreg s21  }
0xd: {  	s23 =	simm.s32 $0x4880;
	[dreg:$0xe] =	wrdreg s22  }
0xe: {  	s24 =	simm.s32 $0x5080;
	[dreg:$0xf] =	wrdreg s23  }
0xf: {  	s25 =	simm.s32 $0x5880;
	[dreg:$0x10] =	wrdreg s24  }
0x10: {  	s26 =	simm.s32 $0x6880;
	[dreg:$0x11] =	wrdreg s25  }
0x11: {  	s9 =	simm.s32 $0x9080;
	s0 =	simm.s32 $0x7080;
	[dreg:$0x12] =	wrdreg s26  }
0x12: {  	s10 =	simm.s32 $0x9880;
	s11 =	simm.s32 $0xA080;
	[dreg:$0x13] =	wrdreg s0  }
0x13: {  	s12 =	simm.s32 $0xA880;
	s28 =	simm.s32 $0x4;
	[dreg:$0x17] =	wrdreg s9  }
0x14: {  	s29 =	simm.s32 $0x5;
	s6 =	smul.u32 $0x300, s4;
	[dreg:$0x18] =	wrdreg s10  }
0x15: {  	s7 =	smul.u32 $0x1800, s4;
	s4 =	sadd.s32 s4, s5;
	[dreg:$0x19] =	wrdreg s11  }
0x16: {  	s30 =	simm.s32 $0x6;
	s8 =	sadd.s32 $0x1600, s4;
	[dreg:$0x1a] =	wrdreg s12  }
0x17: {  	s31 =	simm.s32 $0x7;
	s15 =	simm.s32 $0xC880;
	[dreg:$0x3] =	wrdreg s8  }
0x18: {  	s1 =	ssub.s32 $0x2, s1;
	s16 =	simm.s32 $0xD080;
	[dreg:$0x1d] =	wrdreg s15  }
0x19: {  	s5 =	sadd.s32 $0x1800, s5;
	s18 =	simm.s32 $0xD880;
	[dreg:$0x1e] =	wrdreg s16  }
0x1a: {  	s17 =	sshrl.u32 s1, $0x1;
	s19 =	simm.s32 $0xE080;
	[dreg:$0x1f] =	wrdreg s18  }
0x1b: {  	s20 =	simm.s32 $0xE880;
	s21 =	simm.s32 $0xF080;
	[smem:$0x7F6] =	sst s19  }
0x1c: {  	s22 =	simm.s32 $0xF880;
	s23 =	simm.s32 $0x10080;
	[smem:$0x7F7] =	sst s20  }
0x1d: {  	s9 =	simm.s32 $0x80;
	s24 =	simm.s32 $0x10880;
	[smem:$0x7F8] =	sst s21  }
0x1e: {  	s10 =	simm.s32 $0x6080;
	s25 =	simm.s32 $0x11080;
	[smem:$0x7F9] =	sst s22  }
0x1f: {  	s11 =	simm.s32 $0x1;
	s26 =	simm.s32 $0x11880;
	[smem:$0x7FA] =	sst s23  }
0x20: {  	s12 =	simm.s32 $0xC080;
	s4 =	sadd.s32 s5, s6;
	[smem:$0x7FB] =	sst s24  }
0x21: {  	s13 =	sshrl.u32 s7, $0x3;
	s7 =	simm.s32 $0x8080;
	[smem:$0x7FC] =	sst s25  }
0x22: {  	s8 =	simm.s32 $0x8880;
	s1 =	ssub.s32 s1, s17;
	[smem:$0x7FD] =	sst s26  }
0x23: {  	s16 =	simm.s32 $0x13080;
	s17 =	simm.s32 $0x13880;
	s18 =	simm.s32 $0x14080  }
0x24: {  	s19 =	simm.s32 $0x14880;
	s20 =	simm.s32 $0x15080;
	s21 =	simm.s32 $0x15880  }
0x25: {  	s22 =	simm.s32 $0x16080;
	s23 =	simm.s32 $0x16880;
	s24 =	simm.s32 $0x17080  }
0x26: {  	s25 =	simm.s32 $0x17880;
	s26 =	simm.s32 $0x3;
	[dreg:$0x15] =	wrdreg s7  }
0x27: {  	s14 =	sadd.s32 $0xC00, s4;
	s5 =	sadd.s32 s5, s13;
	[dreg:$0x16] =	wrdreg s8  }
0x28: {  	s13 =	simm.s32 $0xB080;
	s7 =	smax.u32 s1, $0x1;
	[dreg:$0x4] =	wrdreg s14  }
0x29: {  	s8 =	simm.s32 $0x9;
	s6 =	sadd.s32 $0x1800, s5;
	[dreg:$0x1b] =	wrdreg s13  }
0x2a: {  	s1 =	simm.s32 $0x8;
	s5 =	sadd.s32 $0x2400, s5;
	[dreg:$0x5] =	wrdreg s6  }
0x2b: {  	v2 =	vlaneseq.u32;
	s14 =	simm.s32 $0xB880;
	s13 =	simm.s32 $0x2;
	[dreg:$0x6] =	wrdreg s5  }
0x2c: {  	vm0 =	vmmov $0xffff;
	v1 =	vshrl.u32 v2, $0x3;
	s6 =	simm.s32 $0x7880;
	[dreg:$0x1c] =	wrdreg s14;
	s5 =	sadd.s32 $0x100, s2  }
0x2d: {  	v0 =	vand.u32 $0x7, v2;
	v2 =	vor.u32 $0x8, v2;
	v1 =	vmul.u32 $0x8, v1;
	s14 =	simm.s32 $0x12080;
	[dreg:$0x14] =	wrdreg s6;
	s6 =	sadd.s32 $0x200, s2  }
.LBB2_1:
0x2e: {  	s0 =	rddreg [dreg:$0x3]  }
0x2f: {  	[tilespmem:s3], [sflag:$0x9] =	stream.linear.gather [hbm4b:s0+s3], $0x80, $0x38;
	[tilespmem:$0x18080] =	vst v63  }
0x30: {  	_ =	swait.ge [sflag:s8], $0x80  }
0x31: {  	[sflag:s8] =	ssyncset.done $0x0  }
0x32: {  	[sflag:s8] =	ssyncadd.s32 $0xFFFFFF80  }
0x33: {  	v3 =	vld [tilespmem:$0x0];
	_ =	sdelay $0x4  }
0x34: {  	v4 =	vshrl.u32 v3, $0x3  }
0x35: {  	v4 =	vmul.u32 $0x30, v4  }
0x36: {  	v3 =	vand.u32 $0x7, v3  }
0x37: {  	v3 =	vor.u32 v3, v4  }
0x38: {  	v4 =	vperm.xlane v3, v0;
	_ =	sdelay $0x1  }
0x39: {  	v4 =	vadd.s32 v1, v4;
	_ =	sdelay $0x3  }
0x3a: {  	v3 =	vperm.xlane v3, v2  }
0x3b: {  	[tilespmem:s9], [sflag:$0x1] =	stream.indirect_vreg.gather [hbm4b:s2+s3], $0x80, v4, vm0, $0xb8;
	[tilespmem:$0x18080] =	vst v63  }
0x3c: {  	s0 =	rddreg [dreg:$0x7];
	v3 =	vadd.s32 v1, v3  }
0x3d: {  	[tilespmem:s0], [sflag:$0x1] =	stream.indirect_vreg.gather [hbm4b:s5+s3], $0x80, v4, vm0, $0xb8;
	[tilespmem:$0x18080] =	vst v63  }
0x3e: {  	s15 =	rddreg [dreg:$0x8]  }
0x3f: {  	[tilespmem:s15], [sflag:$0x1] =	stream.indirect_vreg.gather [hbm4b:s6+s3], $0x80, v4, vm0, $0xb8;
	[tilespmem:$0x18080] =	vst v63  }
0x40: {  	s0 =	rddreg [dreg:$0x9]  }
0x41: {  	[tilespmem:s0], [sflag:$0x1] =	stream.indirect_vreg.gather [hbm4b:s2+s3], $0x80, v3, vm0, $0xb8;
	[tilespmem:$0x18080] =	vst v63  }
0x42: {  	s15 =	rddreg [dreg:$0xa]  }
0x43: {  	[tilespmem:s15], [sflag:$0x1] =	stream.indirect_vreg.gather [hbm4b:s5+s3], $0x80, v3, vm0, $0xb8;
	[tilespmem:$0x18080] =	vst v63  }
0x44: {  	s0 =	rddreg [dreg:$0xb]  }
0x45: {  	[tilespmem:s0], [sflag:$0x1] =	stream.indirect_vreg.gather [hbm4b:s6+s3], $0x80, v3, vm0, $0xb8;
	[tilespmem:$0x18080] =	vst v63  }
0x46: {  	v3 =	vld [tilespmem:$0x10];
	_ =	sdelay $0x4  }
0x47: {  	v57 =	vshrl.u32 v3, $0x3  }
0x48: {  	v4 =	vmul.u32 $0x30, v57  }
0x49: {  	v3 =	vand.u32 $0x7, v3  }
0x4a: {  	v3 =	vor.u32 v3, v4  }
0x4b: {  	v4 =	vperm.xlane v3, v0;
	_ =	sdelay $0x1  }
0x4c: {  	v4 =	vadd.s32 v1, v4;
	_ =	sdelay $0x3  }
0x4d: {  	s0 =	rddreg [dreg:$0xc];
	v3 =	vperm.xlane v3, v2  }
0x4e: {  	[tilespmem:s0], [sflag:$0x1] =	stream.indirect_vreg.gather [hbm4b:s2+s3], $0x80, v4, vm0, $0xb8;
	[tilespmem:$0x18080] =	vst v63  }
0x4f: {  	s15 =	rddreg [dreg:$0xd];
	v3 =	vadd.s32 v1, v3  }
0x50: {  	[tilespmem:s15], [sflag:$0x1] =	stream.indirect_vreg.gather [hbm4b:s5+s3], $0x80, v4, vm0, $0xb8;
	[tilespmem:$0x18080] =	vst v63  }
0x51: {  	s0 =	rddreg [dreg:$0xe]  }
0x52: {  	[tilespmem:s0], [sflag:$0x1] =	stream.indirect_vreg.gather [hbm4b:s6+s3], $0x80, v4, vm0, $0xb8;
	[tilespmem:$0x18080] =	vst v63  }
0x53: {  	s15 =	rddreg [dreg:$0xf]  }
0x54: {  	[tilespmem:s15], [sflag:$0x1] =	stream.indirect_vreg.gather [hbm4b:s2+s3], $0x80, v3, vm0, $0xb8;
	[tilespmem:$0x18080] =	vst v63  }
0x55: {  	s0 =	rddreg [dreg:$0x10]  }
0x56: {  	[tilespmem:s0], [sflag:$0x1] =	stream.indirect_vreg.gather [hbm4b:s5+s3], $0x80, v3, vm0, $0xb8;
	[tilespmem:$0x18080] =	vst v63  }
0x57: {  	s15 =	rddreg [dreg:$0x11]  }
0x58: {  	[tilespmem:s15], [sflag:$0x1] =	stream.indirect_vreg.gather [hbm4b:s6+s3], $0x80, v3, vm0, $0xb8;
	[tilespmem:$0x18080] =	vst v63  }
0x59: {  	v3 =	vld [tilespmem:$0x20];
	_ =	sdelay $0x4  }
0x5a: {  	v58 =	vshrl.u32 v3, $0x3  }
0x5b: {  	v4 =	vmul.u32 $0x30, v58  }
0x5c: {  	v3 =	vand.u32 $0x7, v3  }
0x5d: {  	v3 =	vor.u32 v3, v4  }
0x5e: {  	v4 =	vperm.xlane v3, v0;
	_ =	sdelay $0x1  }
0x5f: {  	v4 =	vadd.s32 v1, v4;
	_ =	sdelay $0x3  }
0x60: {  	v3 =	vperm.xlane v3, v2  }
0x61: {  	[tilespmem:s10], [sflag:$0x2] =	stream.indirect_vreg.gather [hbm4b:s2+s3], $0x80, v4, vm0, $0xb8;
	[tilespmem:$0x18080] =	vst v63  }
0x62: {  	s0 =	rddreg [dreg:$0x12];
	v3 =	vadd.s32 v1, v3  }
0x63: {  	[tilespmem:s0], [sflag:$0x2] =	stream.indirect_vreg.gather [hbm4b:s5+s3], $0x80, v4, vm0, $0xb8;
	[tilespmem:$0x18080] =	vst v63  }
0x64: {  	s15 =	rddreg [dreg:$0x13]  }
0x65: {  	[tilespmem:s15], [sflag:$0x2] =	stream.indirect_vreg.gather [hbm4b:s6+s3], $0x80, v4, vm0, $0xb8;
	[tilespmem:$0x18080] =	vst v63  }
0x66: {  	s0 =	rddreg [dreg:$0x14]  }
0x67: {  	[tilespmem:s0], [sflag:$0x2] =	stream.indirect_vreg.gather [hbm4b:s2+s3], $0x80, v3, vm0, $0xb8;
	[tilespmem:$0x18080] =	vst v63  }
0x68: {  	s15 =	rddreg [dreg:$0x15]  }
0x69: {  	[tilespmem:s15], [sflag:$0x2] =	stream.indirect_vreg.gather [hbm4b:s5+s3], $0x80, v3, vm0, $0xb8;
	[tilespmem:$0x18080] =	vst v63  }
0x6a: {  	s0 =	rddreg [dreg:$0x16]  }
0x6b: {  	[tilespmem:s0], [sflag:$0x2] =	stream.indirect_vreg.gather [hbm4b:s6+s3], $0x80, v3, vm0, $0xb8;
	[tilespmem:$0x18080] =	vst v63  }
0x6c: {  	v3 =	vld [tilespmem:$0x30];
	_ =	sdelay $0x4  }
0x6d: {  	v59 =	vshrl.u32 v3, $0x3  }
0x6e: {  	v4 =	vmul.u32 $0x30, v59  }
0x6f: {  	v3 =	vand.u32 $0x7, v3  }
0x70: {  	v3 =	vor.u32 v3, v4  }
0x71: {  	v4 =	vperm.xlane v3, v0;
	_ =	sdelay $0x1  }
0x72: {  	v4 =	vadd.s32 v1, v4;
	_ =	sdelay $0x3  }
0x73: {  	s0 =	rddreg [dreg:$0x17];
	v3 =	vperm.xlane v3, v2  }
0x74: {  	[tilespmem:s0], [sflag:$0x2] =	stream.indirect_vreg.gather [hbm4b:s2+s3], $0x80, v4, vm0, $0xb8;
	[tilespmem:$0x18080] =	vst v63  }
0x75: {  	s15 =	rddreg [dreg:$0x18];
	v3 =	vadd.s32 v1, v3  }
0x76: {  	[tilespmem:s15], [sflag:$0x2] =	stream.indirect_vreg.gather [hbm4b:s5+s3], $0x80, v4, vm0, $0xb8;
	[tilespmem:$0x18080] =	vst v63  }
0x77: {  	s0 =	rddreg [dreg:$0x19]  }
0x78: {  	[tilespmem:s0], [sflag:$0x2] =	stream.indirect_vreg.gather [hbm4b:s6+s3], $0x80, v4, vm0, $0xb8;
	[tilespmem:$0x18080] =	vst v63  }
0x79: {  	s15 =	rddreg [dreg:$0x1a]  }
0x7a: {  	[tilespmem:s15], [sflag:$0x2] =	stream.indirect_vreg.gather [hbm4b:s2+s3], $0x80, v3, vm0, $0xb8;
	[tilespmem:$0x18080] =	vst v63  }
0x7b: {  	s0 =	rddreg [dreg:$0x1b]  }
0x7c: {  	[tilespmem:s0], [sflag:$0x2] =	stream.indirect_vreg.gather [hbm4b:s5+s3], $0x80, v3, vm0, $0xb8;
	[tilespmem:$0x18080] =	vst v63  }
0x7d: {  	s15 =	rddreg [dreg:$0x1c]  }
0x7e: {  	[tilespmem:s15], [sflag:$0x2] =	stream.indirect_vreg.gather [hbm4b:s6+s3], $0x80, v3, vm0, $0xb8;
	[tilespmem:$0x18080] =	vst v63  }
0x7f: {  	_ =	swait.ge [sflag:s11], $0x6000  }
0x80: {  	[sflag:s11] =	ssyncset.done $0x0  }
0x81: {  	[sflag:s11] =	ssyncadd.s32 $0xFFFFA000  }
0x82: {  	[hbm4b:s4+s3] =	stream.linear.scatter [tilespmem:s9], [sflag:$0x5], $0x6000, $0x38;
	[tilespmem:$0x18080] =	vst v63  }
0x83: {  	v3 =	vld [tilespmem:$0x40];
	_ =	sdelay $0x4  }
0x84: {  	v60 =	vshrl.u32 v3, $0x3  }
0x85: {  	v4 =	vmul.u32 $0x30, v60  }
0x86: {  	v3 =	vand.u32 $0x7, v3  }
0x87: {  	v3 =	vor.u32 v3, v4  }
0x88: {  	v4 =	vperm.xlane v3, v0;
	_ =	sdelay $0x1  }
0x89: {  	v4 =	vadd.s32 v1, v4;
	_ =	sdelay $0x3  }
0x8a: {  	s0 =	rddreg [dreg:$0x1d];
	v3 =	vperm.xlane v3, v2  }
0x8b: {  	[tilespmem:s12], [sflag:$0x3] =	stream.indirect_vreg.gather [hbm4b:s2+s3], $0x80, v4, vm0, $0xb8;
	[tilespmem:$0x18080] =	vst v63  }
0x8c: {  	s15 =	rddreg [dreg:$0x1e];
	v3 =	vadd.s32 v1, v3  }
0x8d: {  	[tilespmem:s0], [sflag:$0x3] =	stream.indirect_vreg.gather [hbm4b:s5+s3], $0x80, v4, vm0, $0xb8;
	[tilespmem:$0x18080] =	vst v63  }
0x8e: {  	s0 =	rddreg [dreg:$0x1f]  }
0x8f: {  	[tilespmem:s15], [sflag:$0x3] =	stream.indirect_vreg.gather [hbm4b:s6+s3], $0x80, v4, vm0, $0xb8;
	[tilespmem:$0x18080] =	vst v63  }
0x90: {  	s15 =	sld [smem:$0x7F6]  }
0x91: {  	[tilespmem:s0], [sflag:$0x3] =	stream.indirect_vreg.gather [hbm4b:s2+s3], $0x80, v3, vm0, $0xb8;
	[tilespmem:$0x18080] =	vst v63  }
0x92: {  	s0 =	sld [smem:$0x7F7]  }
0x93: {  	[tilespmem:s15], [sflag:$0x3] =	stream.indirect_vreg.gather [hbm4b:s5+s3], $0x80, v3, vm0, $0xb8;
	[tilespmem:$0x18080] =	vst v63  }
0x94: {  	_ = 	snop  }
0x95: {  	[tilespmem:s0], [sflag:$0x3] =	stream.indirect_vreg.gather [hbm4b:s6+s3], $0x80, v3, vm0, $0xb8;
	[tilespmem:$0x18080] =	vst v63  }
0x96: {  	v3 =	vld [tilespmem:$0x50];
	_ =	sdelay $0x4  }
0x97: {  	v61 =	vshrl.u32 v3, $0x3  }
0x98: {  	v4 =	vmul.u32 $0x30, v61  }
0x99: {  	v3 =	vand.u32 $0x7, v3  }
0x9a: {  	v3 =	vor.u32 v3, v4  }
0x9b: {  	v4 =	vperm.xlane v3, v0;
	_ =	sdelay $0x1  }
0x9c: {  	v4 =	vadd.s32 v1, v4;
	_ =	sdelay $0x1  }
0x9d: {  	s0 =	sld [smem:$0x7F8];
	_ =	sdelay $0x1  }
0x9e: {  	s15 =	sld [smem:$0x7F9];
	v3 =	vperm.xlane v3, v2  }
0x9f: {  	[tilespmem:s0], [sflag:$0x3] =	stream.indirect_vreg.gather [hbm4b:s2+s3], $0x80, v4, vm0, $0xb8;
	[tilespmem:$0x18080] =	vst v63  }
0xa0: {  	v3 =	vadd.s32 v1, v3;
	s0 =	sld [smem:$0x7FA]  }
0xa1: {  	[tilespmem:s15], [sflag:$0x3] =	stream.indirect_vreg.gather [hbm4b:s5+s3], $0x80, v4, vm0, $0xb8;
	[tilespmem:$0x18080] =	vst v63  }
0xa2: {  	s15 =	sld [smem:$0x7FB]  }
0xa3: {  	[tilespmem:s0], [sflag:$0x3] =	stream.indirect_vreg.gather [hbm4b:s6+s3], $0x80, v4, vm0, $0xb8;
	[tilespmem:$0x18080] =	vst v63  }
0xa4: {  	s0 =	sld [smem:$0x7FC]  }
0xa5: {  	[tilespmem:s15], [sflag:$0x3] =	stream.indirect_vreg.gather [hbm4b:s2+s3], $0x80, v3, vm0, $0xb8;
	[tilespmem:$0x18080] =	vst v63  }
0xa6: {  	s15 =	sld [smem:$0x7FD]  }
0xa7: {  	[tilespmem:s0], [sflag:$0x3] =	stream.indirect_vreg.gather [hbm4b:s5+s3], $0x80, v3, vm0, $0xb8;
	[tilespmem:$0x18080] =	vst v63  }
0xa8: {  	_ = 	snop  }
0xa9: {  	[tilespmem:s15], [sflag:$0x3] =	stream.indirect_vreg.gather [hbm4b:s6+s3], $0x80, v3, vm0, $0xb8;
	[tilespmem:$0x18080] =	vst v63  }
0xaa: {  	_ =	swait.ge [sflag:s13], $0x6000  }
0xab: {  	[sflag:s13] =	ssyncset.done $0x0  }
0xac: {  	s15 =	rddreg [dreg:$0x4];
	[sflag:s13] =	ssyncadd.s32 $0xFFFFA000  }
0xad: {  	[hbm4b:s15+s3] =	stream.linear.scatter [tilespmem:s10], [sflag:$0x6], $0x6000, $0x38;
	[tilespmem:$0x18080] =	vst v63  }
0xae: {  	v3 =	vld [tilespmem:$0x60];
	_ =	sdelay $0x4  }
0xaf: {  	v62 =	vshrl.u32 v3, $0x3  }
0xb0: {  	v4 =	vmul.u32 $0x30, v62  }
0xb1: {  	v3 =	vand.u32 $0x7, v3  }
0xb2: {  	v3 =	vor.u32 v3, v4  }
0xb3: {  	v4 =	vperm.xlane v3, v0;
	_ =	sdelay $0x1  }
0xb4: {  	v4 =	vadd.s32 v1, v4;
	_ =	sdelay $0x3  }
0xb5: {  	v3 =	vperm.xlane v3, v2  }
0xb6: {  	[tilespmem:s14], [sflag:$0x4] =	stream.indirect_vreg.gather [hbm4b:s2+s3], $0x80, v4, vm0, $0xb8;
	[tilespmem:$0x18080] =	vst v63  }
0xb7: {  	s15 =	simm.s32 $0x12880;
	v3 =	vadd.s32 v1, v3  }
0xb8: {  	[tilespmem:s15], [sflag:$0x4] =	stream.indirect_vreg.gather [hbm4b:s5+s3], $0x80, v4, vm0, $0xb8;
	[tilespmem:$0x18080] =	vst v63  }
0xb9: {  	_ = 	snop  }
0xba: {  	[tilespmem:s16], [sflag:$0x4] =	stream.indirect_vreg.gather [hbm4b:s6+s3], $0x80, v4, vm0, $0xb8;
	[tilespmem:$0x18080] =	vst v63  }
0xbb: {  	_ = 	snop  }
0xbc: {  	[tilespmem:s17], [sflag:$0x4] =	stream.indirect_vreg.gather [hbm4b:s2+s3], $0x80, v3, vm0, $0xb8;
	[tilespmem:$0x18080] =	vst v63  }
0xbd: {  	_ = 	snop  }
0xbe: {  	[tilespmem:s18], [sflag:$0x4] =	stream.indirect_vreg.gather [hbm4b:s5+s3], $0x80, v3, vm0, $0xb8;
	[tilespmem:$0x18080] =	vst v63  }
0xbf: {  	_ = 	snop  }
0xc0: {  	[tilespmem:s19], [sflag:$0x4] =	stream.indirect_vreg.gather [hbm4b:s6+s3], $0x80, v3, vm0, $0xb8;
	[tilespmem:$0x18080] =	vst v63  }
0xc1: {  	v3 =	vld [tilespmem:$0x70];
	_ =	sdelay $0x4  }
0xc2: {  	v63 =	vshrl.u32 v3, $0x3  }
0xc3: {  	v4 =	vmul.u32 $0x30, v63  }
0xc4: {  	v3 =	vand.u32 $0x7, v3  }
0xc5: {  	v3 =	vor.u32 v3, v4  }
0xc6: {  	v4 =	vperm.xlane v3, v0;
	_ =	sdelay $0x1  }
0xc7: {  	v4 =	vadd.s32 v1, v4;
	_ =	sdelay $0x3  }
0xc8: {  	v3 =	vperm.xlane v3, v2  }
0xc9: {  	[tilespmem:s20], [sflag:$0x4] =	stream.indirect_vreg.gather [hbm4b:s2+s3], $0x80, v4, vm0, $0xb8;
	[tilespmem:$0x18080] =	vst v63  }
0xca: {  	v3 =	vadd.s32 v1, v3  }
0xcb: {  	[tilespmem:s21], [sflag:$0x4] =	stream.indirect_vreg.gather [hbm4b:s5+s3], $0x80, v4, vm0, $0xb8;
	[tilespmem:$0x18080] =	vst v63  }
0xcc: {  	_ = 	snop  }
0xcd: {  	[tilespmem:s22], [sflag:$0x4] =	stream.indirect_vreg.gather [hbm4b:s6+s3], $0x80, v4, vm0, $0xb8;
	[tilespmem:$0x18080] =	vst v63  }
0xce: {  	_ = 	snop  }
0xcf: {  	[tilespmem:s23], [sflag:$0x4] =	stream.indirect_vreg.gather [hbm4b:s2+s3], $0x80, v3, vm0, $0xb8;
	[tilespmem:$0x18080] =	vst v63  }
0xd0: {  	_ = 	snop  }
0xd1: {  	[tilespmem:s24], [sflag:$0x4] =	stream.indirect_vreg.gather [hbm4b:s5+s3], $0x80, v3, vm0, $0xb8;
	[tilespmem:$0x18080] =	vst v63  }
0xd2: {  	_ = 	snop  }
0xd3: {  	[tilespmem:s25], [sflag:$0x4] =	stream.indirect_vreg.gather [hbm4b:s6+s3], $0x80, v3, vm0, $0xb8;
	[tilespmem:$0x18080] =	vst v63  }
0xd4: {  	_ =	swait.ge [sflag:s26], $0x6000  }
0xd5: {  	[sflag:s26] =	ssyncset.done $0x0  }
0xd6: {  	s15 =	rddreg [dreg:$0x5];
	[sflag:s26] =	ssyncadd.s32 $0xFFFFA000  }
0xd7: {  	[hbm4b:s15+s3] =	stream.linear.scatter [tilespmem:s12], [sflag:$0x7], $0x6000, $0x38;
	[tilespmem:$0x18080] =	vst v63  }
0xd8: {  	_ =	swait.ge [sflag:s28], $0x6000  }
0xd9: {  	[sflag:s28] =	ssyncset.done $0x0  }
0xda: {  	s15 =	rddreg [dreg:$0x6];
	[sflag:s28] =	ssyncadd.s32 $0xFFFFA000  }
0xdb: {  	[hbm4b:s15+s3] =	stream.linear.scatter [tilespmem:s14], [sflag:$0x8], $0x6000, $0x38;
	[tilespmem:$0x18080] =	vst v63  }
0xdc: {  	_ =	swait.ge [sflag:s29], $0x6000  }
0xdd: {  	[sflag:s29] =	ssyncset.done $0x0  }
0xde: {  	[sflag:s29] =	ssyncadd.s32 $0xFFFFA000  }
0xdf: {  	_ =	swait.ge [sflag:s30], $0x6000  }
0xe0: {  	[sflag:s30] =	ssyncset.done $0x0  }
0xe1: {  	[sflag:s30] =	ssyncadd.s32 $0xFFFFA000  }
0xe2: {  	p0 =	sne.s32 s7, $0x1;
	_ =	swait.ge [sflag:s31], $0x6000  }
.Ltmp0:
0xe3: {  	[sflag:s31] =	ssyncset.done $0x0;
	(pc) =	sbr.rel @p0 .LBB2_1-.Ltmp0, $4  }
0xe4: {  	[sflag:s31] =	ssyncadd.s32 $0xFFFFA000  }
0xe5: {  	_ =	swait.ge [sflag:s1], $0x6000  }
0xe6: {  	[sflag:s1] =	ssyncset.done $0x0  }
0xe7: {  	s7 =	sadd.s32 $0xFFFFFFFF, s7;
	[sflag:s1] =	ssyncadd.s32 $0xFFFFA000  }
0xe8: {  	_ =	sfence.sel $0x180000  }
0xe9: {  	[bflag:$0x0] =	sbarrier.arrive $0xFFFF  }
0xea: {  	_ =	strace $0x90000047  }
0xeb: {  	s0 =	stileid.u32;
	[bflag:$0x2] =	sbarrier.arrive $0xFFFF  }
0xec: {  	p0 =	sne.s32 s0, $0x0;
	s0 =	rddreg [dreg:$0x2]  }
0xed: {  	s0 =	sadd.s32 @!p0 $0x100000, s0  }
0xee: {  	[sflag:s0] =	ssyncadd.tile.s32 @!p0 $0x1;
	_ =	shalt  }
.Lfunc_end2:
_tile_overlayer_lowered:
.L_overlay_start_2:
0xef: {  	(tag) =	ssettag $0x2  }
0xf0: {  	s0 =	rddreg [dreg:$0x0];
	s2 =	stileid.u32  }
0xf1: {  	s1 =	rddreg [dreg:$0x1];
	p0 =	sne.s32 s2, $0x0  }
0xf2: {  	s3 =	rddreg [dreg:$0x2];
	[bflag:$0x3] =	sbarrier.arrive $0xFFFF;
	s2 =	simm.s32 @!p0 $0x1C09  }
0xf3: {  	[timem:s3], [sflag:s2] =	dma.local @!p0 [hbm:s0], s1  }
0xf4: {  	s0 =	simm.s32 @!p0 $0x9  }
0xf5: {  	_ =	swait.ge @!p0 [sflag:s0], s1  }
0xf6: {  	s1 =	ssub.s32 @!p0 $0x0, s1;
	[sflag:s0] =	ssyncset.done @!p0 $0x0  }
0xf7: {  	[sflag:s0] =	ssyncadd.s32 @!p0 s1  }
0xf8: {  	[bflag:$0x3] =	sbarrier.arrive $0xFFFF  }
0xf9: {  	_ =	shalt  }

</sc_bundles>
